<compile_context>
chip_gen: v7x
topology: tpu7x:2x2x1
jax: 0.10.2.dev20260603
libtpu: 0.0.44.dev20260713+nightly
codegen_flags: <defaults>
</compile_context>

<pallas_src>
import functools

import jax
import jax.numpy as jnp
from jax import lax
from jax.experimental import pallas as pl
from jax.experimental.pallas import tpu as pltpu
from jax.experimental.pallas import tpu_sc as plsc

N = 10000
E = 320000
D = 128
R = 230
T = 366

RP = 240
TP = 368
NP = 10240
C = 32
G = 313
EP = 32 * C * G
ROWS_PER_TILE = NP // 16

ENT_BLK = 2000


def _tables_body(relp_ref, timep_ref, wrI_ref, wrO_ref, wtI_ref, wtO_ref,
                 wT_ref, bI_ref, bO_ref, bT_ref,
                 tabRI_ref, tabRO_ref, tabTI_ref, tabTO_ref, tnew_ref):
    r = relp_ref[...]
    t = timep_ref[...]
    tabRI_ref[...] = jnp.dot(r, wrI_ref[...], preferred_element_type=jnp.float32) + bI_ref[...]
    tabRO_ref[...] = jnp.dot(r, wrO_ref[...], preferred_element_type=jnp.float32) + bO_ref[...]
    tabTI_ref[...] = jnp.dot(t, wtI_ref[...], preferred_element_type=jnp.float32)
    tabTO_ref[...] = jnp.dot(t, wtO_ref[...], preferred_element_type=jnp.float32)
    tnew_ref[...] = jnp.dot(t, wT_ref[...], preferred_element_type=jnp.float32) + bT_ref[...]


def _tc_tables(relp, timep, wrI, wrO, wtI, wtO, wT, bI, bO, bT):
    f32 = jnp.float32
    return pl.pallas_call(
        _tables_body,
        out_shape=[
            jax.ShapeDtypeStruct((RP, D), f32),
            jax.ShapeDtypeStruct((RP, D), f32),
            jax.ShapeDtypeStruct((TP, D), f32),
            jax.ShapeDtypeStruct((TP, D), f32),
            jax.ShapeDtypeStruct((TP, D), f32),
        ],
    )(relp, timep, wrI, wrO, wtI, wtO, wT, bI, bO, bT)


def _ent_body(ent_ref, weI_ref, weO_ref, wS_ref, bS_ref,
              tabEI_ref, tabEO_ref, lin_ref):
    x = ent_ref[...]
    tabEI_ref[...] = jnp.dot(x, weI_ref[...], preferred_element_type=jnp.float32)
    tabEO_ref[...] = jnp.dot(x, weO_ref[...], preferred_element_type=jnp.float32)
    lin_ref[...] = jnp.dot(x, wS_ref[...], preferred_element_type=jnp.float32) + bS_ref[...]


def _tc_ent(ent_emb, weI, weO, wS, bS):
    f32 = jnp.float32
    nblk = N // ENT_BLK
    blk = lambda i: (i, 0)
    wblk = lambda i: (0, 0)
    return pl.pallas_call(
        _ent_body,
        grid=(nblk,),
        in_specs=[
            pl.BlockSpec((ENT_BLK, D), blk),
            pl.BlockSpec((D, D), wblk),
            pl.BlockSpec((D, D), wblk),
            pl.BlockSpec((D, D), wblk),
            pl.BlockSpec((1, D), wblk),
        ],
        out_specs=[
            pl.BlockSpec((ENT_BLK, D), blk),
            pl.BlockSpec((ENT_BLK, D), blk),
            pl.BlockSpec((ENT_BLK, D), blk),
        ],
        out_shape=[
            jax.ShapeDtypeStruct((N, D), f32),
            jax.ShapeDtypeStruct((N, D), f32),
            jax.ShapeDtypeStruct((N, D), f32),
        ],
    )(ent_emb, weI, weO, wS, bS)


def _sc_body(tabE, tabR, tabT, eidx, ridx, tidx, dst, rowids, zrows, ones_h,
             out, dout,
             acc, bufE, bufR, bufT, onesD,
             eidxv, ridxv, tidxv, dstv, rowv,
             semE, semR, semT):
    core = lax.axis_index("c")
    sub = lax.axis_index("s")
    rbase = sub * ROWS_PER_TILE
    obase = core * NP
    nrep = ROWS_PER_TILE // C
    ebase = (core * 16 + sub) * (G * C)

    pltpu.sync_copy(zrows, bufE)
    pltpu.sync_copy(ones_h, onesD)

    def _init(j, _):
        pltpu.sync_copy(rowids.at[pl.ds(rbase + j * C, C)], rowv)
        pltpu.sync_copy(bufE, acc.at[rowv])
        return 0

    lax.fori_loop(0, nrep, _init, 0)
    plsc.subcore_barrier()

    def _chunk(g, _):
        base = ebase + g * C
        pltpu.sync_copy(eidx.at[pl.ds(base, C)], eidxv)
        pltpu.sync_copy(ridx.at[pl.ds(base, C)], ridxv)
        pltpu.sync_copy(tidx.at[pl.ds(base, C)], tidxv)
        pltpu.sync_copy(dst.at[pl.ds(base, C)], dstv)
        cpE = pltpu.async_copy(tabE.at[eidxv], bufE, semE)
        cpR = pltpu.async_copy(tabR.at[ridxv], bufR, semR)
        cpT = pltpu.async_copy(tabT.at[tidxv], bufT, semT)
        cpE.wait()
        cpR.wait()
        cpT.wait()
        def _row(r, _):
            for k in range(8):
                sl = pl.ds(16 * k, 16)
                bufE[r, sl] = bufE[r, sl] + bufR[r, sl] + bufT[r, sl]
            return 0

        lax.fori_loop(0, C, _row, 0)
        pltpu.sync_copy(bufE, acc.at[dstv], add=True)
        return 0

    lax.fori_loop(0, G, _chunk, 0)
    plsc.subcore_barrier()

    def _writeout(j, _):
        pltpu.sync_copy(rowids.at[pl.ds(rbase + j * C, C)], rowv)
        pltpu.sync_copy(acc.at[rowv], bufE)
        pltpu.sync_copy(bufE, out.at[pl.ds(obase + rbase + j * C, C)])
        return 0

    lax.fori_loop(0, nrep, _writeout, 0)
    plsc.subcore_barrier()

    pltpu.sync_copy(zrows, bufR)

    def _init2(j, _):
        pltpu.sync_copy(rowids.at[pl.ds(rbase + j * C, C)], rowv)
        pltpu.sync_copy(bufR, acc.at[rowv])
        return 0

    lax.fori_loop(0, nrep, _init2, 0)
    plsc.subcore_barrier()

    def _chunk2(g, _):
        base = ebase + g * C
        pltpu.sync_copy(dst.at[pl.ds(base, C)], dstv)
        pltpu.sync_copy(onesD, acc.at[dstv], add=True)
        return 0

    lax.fori_loop(0, G, _chunk2, 0)
    plsc.subcore_barrier()

    def _writeout2(j, _):
        pltpu.sync_copy(rowids.at[pl.ds(rbase + j * C, C)], rowv)
        pltpu.sync_copy(acc.at[rowv], bufE)
        pltpu.sync_copy(bufE, dout.at[pl.ds(obase + rbase + j * C, C)])
        return 0

    lax.fori_loop(0, nrep, _writeout2, 0)


def _sc_scatter(tabE, tabR, tabT, eidx, ridx, tidx, dst, rowids, zrows, ones_h):
    f32 = jnp.float32
    i32 = jnp.int32
    mesh = plsc.VectorSubcoreMesh(core_axis_name="c", subcore_axis_name="s")
    fn = functools.partial(
        pl.kernel,
        out_type=[
            jax.ShapeDtypeStruct((2 * NP, D), f32),
            jax.ShapeDtypeStruct((2 * NP, D), f32),
        ],
        mesh=mesh,
        scratch_types=[
            pltpu.VMEM_SHARED((NP, D), f32),
            pltpu.VMEM((C, D), f32),
            pltpu.VMEM((C, D), f32),
            pltpu.VMEM((C, D), f32),
            pltpu.VMEM((C, D), f32),
            pltpu.VMEM((C,), i32),
            pltpu.VMEM((C,), i32),
            pltpu.VMEM((C,), i32),
            pltpu.VMEM((C,), i32),
            pltpu.VMEM((C,), i32),
            pltpu.SemaphoreType.DMA,
            pltpu.SemaphoreType.DMA,
            pltpu.SemaphoreType.DMA,
        ],
    )(_sc_body)
    return fn(tabE, tabR, tabT, eidx, ridx, tidx, dst, rowids, zrows, ones_h)


def _combine_body(p0_ref, p1_ref, d0_ref, d1_ref, lin_ref, out_ref):
    deg = jnp.maximum(d0_ref[...] + d1_ref[...], 1.0)
    out_ref[...] = lin_ref[...] + (p0_ref[...] + p1_ref[...]) / deg


def _tc_combine(p0, p1, d0, d1, lin):
    nblk = N // ENT_BLK
    blk = lambda i: (i, 0)
    return pl.pallas_call(
        _combine_body,
        grid=(nblk,),
        in_specs=[
            pl.BlockSpec((ENT_BLK, D), blk),
            pl.BlockSpec((ENT_BLK, D), blk),
            pl.BlockSpec((ENT_BLK, D), blk),
            pl.BlockSpec((ENT_BLK, D), blk),
            pl.BlockSpec((ENT_BLK, D), blk),
        ],
        out_specs=pl.BlockSpec((ENT_BLK, D), blk),
        out_shape=jax.ShapeDtypeStruct((N, D), jnp.float32),
    )(p0, p1, d0, d1, lin)


def kernel(ent_emb, rel_emb, time_emb, edge_index, b_rel, time_idx, inv,
           W_I, b_I, W_O, b_O, W_S, b_S, W_T, b_T):
    f32 = jnp.float32
    src = edge_index[0]
    dst = edge_index[1]

    pad = EP - E
    invp = jnp.pad(inv, (0, pad))
    eidx = jnp.pad(src, (0, pad)) + invp * N
    ridx = jnp.pad(b_rel, (0, pad)) + invp * RP
    tidx = jnp.pad(time_idx, (0, pad)) + invp * TP
    dstp = jnp.pad(dst, (0, pad), constant_values=N)

    relp = jnp.pad(rel_emb, ((0, RP - R), (0, 0)))
    timep = jnp.pad(time_emb, ((0, TP - T), (0, 0)))

    rowids = jnp.arange(NP, dtype=jnp.int32)
    zrows = jnp.zeros((C, D), f32)
    ones_h = jnp.ones((C, D), f32)

    bI2 = b_I.reshape(1, D)
    bO2 = b_O.reshape(1, D)
    bS2 = b_S.reshape(1, D)
    bT2 = b_T.reshape(1, D)

    tabRI, tabRO, tabTI, tabTO, time_new_p = _tc_tables(
        relp, timep,
        W_I[0:D, :], W_O[0:D, :], W_I[2 * D:3 * D, :], W_O[2 * D:3 * D, :],
        W_T, bI2, bO2, bT2)

    tabEI, tabEO, ent_lin = _tc_ent(
        ent_emb, W_I[D:2 * D, :], W_O[D:2 * D, :], W_S, bS2)

    tabE = jnp.concatenate([tabEI, tabEO], axis=0)
    tabR = jnp.concatenate([tabRI, tabRO], axis=0)
    tabT = jnp.concatenate([tabTI, tabTO], axis=0)

    partial, degp = _sc_scatter(tabE, tabR, tabT, eidx, ridx, tidx, dstp,
                                rowids, zrows, ones_h)

    ent_new = _tc_combine(partial[0:N], partial[NP:NP + N],
                          degp[0:N], degp[NP:NP + N], ent_lin)
    time_new = time_new_p[:T]
    return (ent_new, time_new)

# --- scband reference (transcript-rebuilt; emitter-appended) ---
"""Pipeline reference for scband-ext-ent-layer-4561255268668 (READ-ONLY COPY).

The authoritative reference and input builder live on the scoring server;
editing this copy changes nothing except your own understanding.
"""

import jax, jax.numpy as jnp
import numpy as np

N = 10000
E = 320000
D = 128  # ent_dim = rel_dim = time_dim
R = 230
T = 366
IN = 3 * D


def setup_inputs(seed: int = 0) -> dict:
    key = jax.random.key(seed)
    ks = jax.random.split(key, 16)
    ent_emb = jax.random.normal(ks[0], (N, D), dtype=jnp.float32)
    rel_emb = jax.random.normal(ks[1], (R, D), dtype=jnp.float32)
    time_emb = jax.random.normal(ks[2], (T, D), dtype=jnp.float32)
    edge_index = jax.random.randint(ks[3], (2, E), 0, N, dtype=jnp.int32)
    b_rel = jax.random.randint(ks[4], (E,), 0, R, dtype=jnp.int32)
    time_idx = jax.random.randint(ks[5], (E,), 0, T, dtype=jnp.int32)
    inv = jax.random.randint(ks[6], (E,), 0, 2, dtype=jnp.int32)
    s_in = 1.0 / np.sqrt(IN)
    s_d = 1.0 / np.sqrt(D)
    W_I = jax.random.normal(ks[7], (IN, D), dtype=jnp.float32) * s_in
    b_I = jnp.zeros((D,), dtype=jnp.float32)
    W_O = jax.random.normal(ks[8], (IN, D), dtype=jnp.float32) * s_in
    b_O = jnp.zeros((D,), dtype=jnp.float32)
    W_S = jax.random.normal(ks[9], (D, D), dtype=jnp.float32) * s_d
    b_S = jnp.zeros((D,), dtype=jnp.float32)
    W_T = jax.random.normal(ks[10], (D, D), dtype=jnp.float32) * s_d
    b_T = jnp.zeros((D,), dtype=jnp.float32)
    return {
        "ent_emb": ent_emb, "rel_emb": rel_emb, "time_emb": time_emb,
        "edge_index": edge_index, "b_rel": b_rel, "time_idx": time_idx, "inv": inv,
        "W_I": W_I, "b_I": b_I, "W_O": W_O, "b_O": b_O,
        "W_S": W_S, "b_S": b_S, "W_T": W_T, "b_T": b_T,
    }


def reference(ent_emb, rel_emb, time_emb, edge_index, b_rel, time_idx, inv,
              W_I, b_I, W_O, b_O, W_S, b_S, W_T, b_T):
    src = edge_index[0]
    dst = edge_index[1]
    # edge data gathers (DGL: g.edata['h'] = rel_emb[b_rel]; time_h = time_emb[time])
    h_edge = jnp.take(rel_emb, b_rel, axis=0)
    time_h = jnp.take(time_emb, time_idx, axis=0)
    src_h = jnp.take(ent_emb, src, axis=0)
    # msg_func: comp_h = cat(edge_h, src_h, time_h); W_I for inv==0, W_O for inv==1
    comp_h = jnp.concatenate([h_edge, src_h, time_h], axis=-1)
    msg_I = comp_h @ W_I + b_I
    msg_O = comp_h @ W_O + b_O
    msg = jnp.where((inv == 0)[:, None], msg_I, msg_O)
    # fn.mean('msg', 'h_agg') over incoming edges per dst node
    agg_sum = jax.ops.segment_sum(msg, dst, num_segments=N)
    deg = jax.ops.segment_sum(jnp.ones((E,), dtype=jnp.float32), dst, num_segments=N)
    h_agg = agg_sum / jnp.maximum(deg, 1.0)[:, None]
    # apply_node_func: h_new = W_S(h) + drop(h_agg); dropout is identity in eval
    ent_new = ent_emb @ W_S + b_S + h_agg
    # time_update
    time_new = time_emb @ W_T + b_T
    return (ent_new, time_new)

if __name__ == "__main__":
    import jax
    _d = setup_inputs()
    print(jax.jit(kernel)(*tuple(_d.values())))

</pallas_src>

<mosaic_0001>
#map = affine_map<(d0, d1) -> (0, 0)>
#map1 = affine_map<(d0, d1) -> (0)>
module attributes {stable_mosaic.version = 14 : i64} {
  func.func @_sc_body(%arg0: i32, %arg1: i32, %arg2: memref<20000x128xf32, #tpu.memory_space<hbm>>, %arg3: memref<480x128xf32, #tpu.memory_space<hbm>>, %arg4: memref<736x128xf32, #tpu.memory_space<hbm>>, %arg5: memref<320512xi32, #tpu.memory_space<hbm>>, %arg6: memref<320512xi32, #tpu.memory_space<hbm>>, %arg7: memref<320512xi32, #tpu.memory_space<hbm>>, %arg8: memref<320512xi32, #tpu.memory_space<hbm>>, %arg9: memref<10240xi32, #tpu.memory_space<hbm>>, %arg10: memref<32x128xf32, #tpu.memory_space<hbm>>, %arg11: memref<32x128xf32, #tpu.memory_space<hbm>>, %arg12: memref<20480x128xf32, #tpu.memory_space<hbm>>, %arg13: memref<20480x128xf32, #tpu.memory_space<hbm>>, %arg14: memref<10240x128xf32, #tpu.memory_space<vmem_shared>>, %arg15: memref<32x128xf32, #tpu.memory_space<vmem>>, %arg16: memref<32x128xf32, #tpu.memory_space<vmem>>, %arg17: memref<32x128xf32, #tpu.memory_space<vmem>>, %arg18: memref<32x128xf32, #tpu.memory_space<vmem>>, %arg19: memref<32xi32, #tpu.memory_space<vmem>>, %arg20: memref<32xi32, #tpu.memory_space<vmem>>, %arg21: memref<32xi32, #tpu.memory_space<vmem>>, %arg22: memref<32xi32, #tpu.memory_space<vmem>>, %arg23: memref<32xi32, #tpu.memory_space<vmem>>, %arg24: memref<!tpu.dma_semaphore, #tpu.memory_space<semaphore_mem>>, %arg25: memref<!tpu.dma_semaphore, #tpu.memory_space<semaphore_mem>>, %arg26: memref<!tpu.dma_semaphore, #tpu.memory_space<semaphore_mem>>) attributes {dimension_semantics = [#tpu.dimension_semantics<core_parallel>, #tpu.dimension_semantics<subcore_parallel>], iteration_bounds = array<i64: 2, 16>, scalar_prefetch = 0 : i64, scratch_operands = 13 : i64, tpu.core_type = #tpu.core_type<sc_vector_subcore>, window_params = [{transform_indices = #map}, {transform_indices = #map}, {transform_indices = #map}, {transform_indices = #map1}, {transform_indices = #map1}, {transform_indices = #map1}, {transform_indices = #map1}, {transform_indices = #map1}, {transform_indices = #map}, {transform_indices = #map}, {transform_indices = #map}, {transform_indices = #map}]} {
    %mul3A = arith.constant 640 : i32
    %mul3A_0 = arith.muli %arg1, %mul3A : i32
    %mul3A_1 = arith.constant 10240 : i32
    %mul3A_2 = arith.muli %arg0, %mul3A_1 : i32
    %mul3A_3 = arith.constant 16 : i32
    %mul3A_4 = arith.muli %arg0, %mul3A_3 : i32
    %add3A = arith.addi %mul3A_4, %arg1 : i32
    %mul3A_5 = arith.constant 10016 : i32
    %mul3A_6 = arith.muli %add3A, %mul3A_5 : i32
    "tpu.region"() ({
      %run_scoped3A = tpu.sem_alloc : memref<!tpu.dma_semaphore, #tpu.memory_space<semaphore_mem>>
      tpu.enqueue_dma source(%arg10 : memref<32x128xf32, #tpu.memory_space<hbm>>) target(%arg15 : memref<32x128xf32, #tpu.memory_space<vmem>>) target_semaphore(%run_scoped3A : memref<!tpu.dma_semaphore, #tpu.memory_space<semaphore_mem>>)
      tpu.wait_dma2 semaphore(%run_scoped3A : memref<!tpu.dma_semaphore, #tpu.memory_space<semaphore_mem>>) src(%arg10 : memref<32x128xf32, #tpu.memory_space<hbm>>) dst(%arg15 : memref<32x128xf32, #tpu.memory_space<vmem>>)
      tpu.yield
    }) : () -> ()
    "tpu.region"() ({
      %run_scoped3A = tpu.sem_alloc : memref<!tpu.dma_semaphore, #tpu.memory_space<semaphore_mem>>
      tpu.enqueue_dma source(%arg11 : memref<32x128xf32, #tpu.memory_space<hbm>>) target(%arg18 : memref<32x128xf32, #tpu.memory_space<vmem>>) target_semaphore(%run_scoped3A : memref<!tpu.dma_semaphore, #tpu.memory_space<semaphore_mem>>)
      tpu.wait_dma2 semaphore(%run_scoped3A : memref<!tpu.dma_semaphore, #tpu.memory_space<semaphore_mem>>) src(%arg11 : memref<32x128xf32, #tpu.memory_space<hbm>>) dst(%arg18 : memref<32x128xf32, #tpu.memory_space<vmem>>)
      tpu.yield
    }) : () -> ()
    %scan3A = arith.constant 0 : i32
    %scan3A_7 = arith.constant 0 : i32
    %scan3A_8 = arith.constant 20 : i32
    %scan3A_9 = arith.addi %scan3A_7, %scan3A_8 : i32
    %scan3A_10 = arith.constant 1 : i32
    %scan3A_11 = scf.for %scan3A_52 = %scan3A_7 to %scan3A_9 step %scan3A_10 iter_args(%scan3A_53 = %scan3A) -> (i32)  : i32 {
      %mul3A_54 = arith.constant 32 : i32
      %mul3A_55 = arith.muli %scan3A_52, %mul3A_54 : i32
      %add3A_56 = arith.addi %mul3A_0, %mul3A_55 : i32
      "tpu.region"() ({
        %run_scoped3A = tpu.sem_alloc : memref<!tpu.dma_semaphore, #tpu.memory_space<semaphore_mem>>
        %dma_start3A = tpu.memref_slice %arg9[%add3A_56] : memref<10240xi32, #tpu.memory_space<hbm>> -> memref<32xi32, #tpu.memory_space<hbm>>
        %dma_start3A_58 = tpu.memref_slice %arg9[%add3A_56] : memref<10240xi32, #tpu.memory_space<hbm>> -> memref<32xi32, #tpu.memory_space<hbm>>
        tpu.enqueue_dma source(%dma_start3A_58 : memref<32xi32, #tpu.memory_space<hbm>>) target(%arg23 : memref<32xi32, #tpu.memory_space<vmem>>) target_semaphore(%run_scoped3A : memref<!tpu.dma_semaphore, #tpu.memory_space<semaphore_mem>>)
        %dma_wait3A = tpu.memref_slice %arg9[%add3A_56] : memref<10240xi32, #tpu.memory_space<hbm>> -> memref<32xi32, #tpu.memory_space<hbm>>
        %dma_wait3A_59 = tpu.memref_slice %arg9[%add3A_56] : memref<10240xi32, #tpu.memory_space<hbm>> -> memref<32xi32, #tpu.memory_space<hbm>>
        tpu.wait_dma2 semaphore(%run_scoped3A : memref<!tpu.dma_semaphore, #tpu.memory_space<semaphore_mem>>) src(%dma_wait3A_59 : memref<32xi32, #tpu.memory_space<hbm>>) dst(%arg23 : memref<32xi32, #tpu.memory_space<vmem>>)
        tpu.yield
      }) : () -> ()
      "tpu.region"() ({
        %run_scoped3A = tpu.sem_alloc : memref<!tpu.dma_semaphore, #tpu.memory_space<semaphore_mem>>
        %dma_start3A = arith.constant 0 : i32
        %dma_start3A_58 = arith.constant 0 : i32
        %dma_start3A_59 = tpu.memref_slice %arg14[%dma_start3A, %dma_start3A_58] : memref<10240x128xf32, #tpu.memory_space<vmem_shared>> -> memref<10240x128xf32, #tpu.memory_space<vmem_shared>>
        tpu.enqueue_indirect_dma source(%arg15 : memref<32x128xf32, #tpu.memory_space<vmem>>) target(%dma_start3A_59 : memref<10240x128xf32, #tpu.memory_space<vmem_shared>>) offsets(%arg23 : memref<32xi32, #tpu.memory_space<vmem>>) semaphore(%run_scoped3A : memref<!tpu.dma_semaphore, #tpu.memory_space<semaphore_mem>>)
        %dma_wait3A = arith.constant 0 : i32
        %dma_wait3A_60 = arith.constant 0 : i32
        %dma_wait3A_61 = tpu.memref_slice %arg14[%dma_wait3A, %dma_wait3A_60] : memref<10240x128xf32, #tpu.memory_space<vmem_shared>> -> memref<10240x128xf32, #tpu.memory_space<vmem_shared>>
        tpu.wait_indirect_dma semaphore(%run_scoped3A : memref<!tpu.dma_semaphore, #tpu.memory_space<semaphore_mem>>) src(%arg15 : memref<32x128xf32, #tpu.memory_space<vmem>>) dst(%dma_wait3A_61 : memref<10240x128xf32, #tpu.memory_space<vmem_shared>>)
        tpu.yield
      }) : () -> ()
      %scan3A_57 = arith.constant 0 : i32
      scf.yield %scan3A_57 : i32
    }
    %scan3A_12 = arith.constant 20 : i32
    %barrier3A = arith.constant 0 : index
    tpu.barrier barrier_id(%barrier3A)
    %scan3A_13 = arith.constant 0 : i32
    %scan3A_14 = arith.constant 0 : i32
    %scan3A_15 = arith.constant 313 : i32
    %scan3A_16 = arith.addi %scan3A_14, %scan3A_15 : i32
    %scan3A_17 = arith.constant 1 : i32
    %scan3A_18 = scf.for %scan3A_52 = %scan3A_14 to %scan3A_16 step %scan3A_17 iter_args(%scan3A_53 = %scan3A_13) -> (i32)  : i32 {
      %mul3A_54 = arith.constant 32 : i32
      %mul3A_55 = arith.muli %scan3A_52, %mul3A_54 : i32
      %add3A_56 = arith.addi %mul3A_6, %mul3A_55 : i32
      "tpu.region"() ({
        %run_scoped3A = tpu.sem_alloc : memref<!tpu.dma_semaphore, #tpu.memory_space<semaphore_mem>>
        %dma_start3A_81 = tpu.memref_slice %arg5[%add3A_56] : memref<320512xi32, #tpu.memory_space<hbm>> -> memref<32xi32, #tpu.memory_space<hbm>>
        %dma_start3A_82 = tpu.memref_slice %arg5[%add3A_56] : memref<320512xi32, #tpu.memory_space<hbm>> -> memref<32xi32, #tpu.memory_space<hbm>>
        tpu.enqueue_dma source(%dma_start3A_82 : memref<32xi32, #tpu.memory_space<hbm>>) target(%arg19 : memref<32xi32, #tpu.memory_space<vmem>>) target_semaphore(%run_scoped3A : memref<!tpu.dma_semaphore, #tpu.memory_space<semaphore_mem>>)
        %dma_wait3A_83 = tpu.memref_slice %arg5[%add3A_56] : memref<320512xi32, #tpu.memory_space<hbm>> -> memref<32xi32, #tpu.memory_space<hbm>>
        %dma_wait3A_84 = tpu.memref_slice %arg5[%add3A_56] : memref<320512xi32, #tpu.memory_space<hbm>> -> memref<32xi32, #tpu.memory_space<hbm>>
        tpu.wait_dma2 semaphore(%run_scoped3A : memref<!tpu.dma_semaphore, #tpu.memory_space<semaphore_mem>>) src(%dma_wait3A_84 : memref<32xi32, #tpu.memory_space<hbm>>) dst(%arg19 : memref<32xi32, #tpu.memory_space<vmem>>)
        tpu.yield
      }) : () -> ()
      "tpu.region"() ({
        %run_scoped3A = tpu.sem_alloc : memref<!tpu.dma_semaphore, #tpu.memory_space<semaphore_mem>>
        %dma_start3A_81 = tpu.memref_slice %arg6[%add3A_56] : memref<320512xi32, #tpu.memory_space<hbm>> -> memref<32xi32, #tpu.memory_space<hbm>>
        %dma_start3A_82 = tpu.memref_slice %arg6[%add3A_56] : memref<320512xi32, #tpu.memory_space<hbm>> -> memref<32xi32, #tpu.memory_space<hbm>>
        tpu.enqueue_dma source(%dma_start3A_82 : memref<32xi32, #tpu.memory_space<hbm>>) target(%arg20 : memref<32xi32, #tpu.memory_space<vmem>>) target_semaphore(%run_scoped3A : memref<!tpu.dma_semaphore, #tpu.memory_space<semaphore_mem>>)
        %dma_wait3A_83 = tpu.memref_slice %arg6[%add3A_56] : memref<320512xi32, #tpu.memory_space<hbm>> -> memref<32xi32, #tpu.memory_space<hbm>>
        %dma_wait3A_84 = tpu.memref_slice %arg6[%add3A_56] : memref<320512xi32, #tpu.memory_space<hbm>> -> memref<32xi32, #tpu.memory_space<hbm>>
        tpu.wait_dma2 semaphore(%run_scoped3A : memref<!tpu.dma_semaphore, #tpu.memory_space<semaphore_mem>>) src(%dma_wait3A_84 : memref<32xi32, #tpu.memory_space<hbm>>) dst(%arg20 : memref<32xi32, #tpu.memory_space<vmem>>)
        tpu.yield
      }) : () -> ()
      "tpu.region"() ({
        %run_scoped3A = tpu.sem_alloc : memref<!tpu.dma_semaphore, #tpu.memory_space<semaphore_mem>>
        %dma_start3A_81 = tpu.memref_slice %arg7[%add3A_56] : memref<320512xi32, #tpu.memory_space<hbm>> -> memref<32xi32, #tpu.memory_space<hbm>>
        %dma_start3A_82 = tpu.memref_slice %arg7[%add3A_56] : memref<320512xi32, #tpu.memory_space<hbm>> -> memref<32xi32, #tpu.memory_space<hbm>>
        tpu.enqueue_dma source(%dma_start3A_82 : memref<32xi32, #tpu.memory_space<hbm>>) target(%arg21 : memref<32xi32, #tpu.memory_space<vmem>>) target_semaphore(%run_scoped3A : memref<!tpu.dma_semaphore, #tpu.memory_space<semaphore_mem>>)
        %dma_wait3A_83 = tpu.memref_slice %arg7[%add3A_56] : memref<320512xi32, #tpu.memory_space<hbm>> -> memref<32xi32, #tpu.memory_space<hbm>>
        %dma_wait3A_84 = tpu.memref_slice %arg7[%add3A_56] : memref<320512xi32, #tpu.memory_space<hbm>> -> memref<32xi32, #tpu.memory_space<hbm>>
        tpu.wait_dma2 semaphore(%run_scoped3A : memref<!tpu.dma_semaphore, #tpu.memory_space<semaphore_mem>>) src(%dma_wait3A_84 : memref<32xi32, #tpu.memory_space<hbm>>) dst(%arg21 : memref<32xi32, #tpu.memory_space<vmem>>)
        tpu.yield
      }) : () -> ()
      "tpu.region"() ({
        %run_scoped3A = tpu.sem_alloc : memref<!tpu.dma_semaphore, #tpu.memory_space<semaphore_mem>>
        %dma_start3A_81 = tpu.memref_slice %arg8[%add3A_56] : memref<320512xi32, #tpu.memory_space<hbm>> -> memref<32xi32, #tpu.memory_space<hbm>>
        %dma_start3A_82 = tpu.memref_slice %arg8[%add3A_56] : memref<320512xi32, #tpu.memory_space<hbm>> -> memref<32xi32, #tpu.memory_space<hbm>>
        tpu.enqueue_dma source(%dma_start3A_82 : memref<32xi32, #tpu.memory_space<hbm>>) target(%arg22 : memref<32xi32, #tpu.memory_space<vmem>>) target_semaphore(%run_scoped3A : memref<!tpu.dma_semaphore, #tpu.memory_space<semaphore_mem>>)
        %dma_wait3A_83 = tpu.memref_slice %arg8[%add3A_56] : memref<320512xi32, #tpu.memory_space<hbm>> -> memref<32xi32, #tpu.memory_space<hbm>>
        %dma_wait3A_84 = tpu.memref_slice %arg8[%add3A_56] : memref<320512xi32, #tpu.memory_space<hbm>> -> memref<32xi32, #tpu.memory_space<hbm>>
        tpu.wait_dma2 semaphore(%run_scoped3A : memref<!tpu.dma_semaphore, #tpu.memory_space<semaphore_mem>>) src(%dma_wait3A_84 : memref<32xi32, #tpu.memory_space<hbm>>) dst(%arg22 : memref<32xi32, #tpu.memory_space<vmem>>)
        tpu.yield
      }) : () -> ()
      %dma_start3A = arith.constant 0 : i32
      %dma_start3A_57 = arith.constant 0 : i32
      %dma_start3A_58 = tpu.memref_slice %arg2[%dma_start3A, %dma_start3A_57] : memref<20000x128xf32, #tpu.memory_space<hbm>> -> memref<20000x128xf32, #tpu.memory_space<hbm>>
      tpu.enqueue_indirect_dma source(%dma_start3A_58 : memref<20000x128xf32, #tpu.memory_space<hbm>>) target(%arg15 : memref<32x128xf32, #tpu.memory_space<vmem>>) offsets(%arg19 : memref<32xi32, #tpu.memory_space<vmem>>) semaphore(%arg24 : memref<!tpu.dma_semaphore, #tpu.memory_space<semaphore_mem>>)
      %dma_start3A_59 = arith.constant 0 : i32
      %dma_start3A_60 = arith.constant 0 : i32
      %dma_start3A_61 = tpu.memref_slice %arg3[%dma_start3A_59, %dma_start3A_60] : memref<480x128xf32, #tpu.memory_space<hbm>> -> memref<480x128xf32, #tpu.memory_space<hbm>>
      tpu.enqueue_indirect_dma source(%dma_start3A_61 : memref<480x128xf32, #tpu.memory_space<hbm>>) target(%arg16 : memref<32x128xf32, #tpu.memory_space<vmem>>) offsets(%arg20 : memref<32xi32, #tpu.memory_space<vmem>>) semaphore(%arg25 : memref<!tpu.dma_semaphore, #tpu.memory_space<semaphore_mem>>)
      %dma_start3A_62 = arith.constant 0 : i32
      %dma_start3A_63 = arith.constant 0 : i32
      %dma_start3A_64 = tpu.memref_slice %arg4[%dma_start3A_62, %dma_start3A_63] : memref<736x128xf32, #tpu.memory_space<hbm>> -> memref<736x128xf32, #tpu.memory_space<hbm>>
      tpu.enqueue_indirect_dma source(%dma_start3A_64 : memref<736x128xf32, #tpu.memory_space<hbm>>) target(%arg17 : memref<32x128xf32, #tpu.memory_space<vmem>>) offsets(%arg21 : memref<32xi32, #tpu.memory_space<vmem>>) semaphore(%arg26 : memref<!tpu.dma_semaphore, #tpu.memory_space<semaphore_mem>>)
      %dma_wait3A = arith.constant 0 : i32
      %dma_wait3A_65 = arith.constant 0 : i32
      %dma_wait3A_66 = tpu.memref_slice %arg2[%dma_wait3A, %dma_wait3A_65] : memref<20000x128xf32, #tpu.memory_space<hbm>> -> memref<20000x128xf32, #tpu.memory_space<hbm>>
      tpu.wait_indirect_dma semaphore(%arg24 : memref<!tpu.dma_semaphore, #tpu.memory_space<semaphore_mem>>) src(%dma_wait3A_66 : memref<20000x128xf32, #tpu.memory_space<hbm>>) dst(%arg15 : memref<32x128xf32, #tpu.memory_space<vmem>>)
      %dma_wait3A_67 = arith.constant 0 : i32
      %dma_wait3A_68 = arith.constant 0 : i32
      %dma_wait3A_69 = tpu.memref_slice %arg3[%dma_wait3A_67, %dma_wait3A_68] : memref<480x128xf32, #tpu.memory_space<hbm>> -> memref<480x128xf32, #tpu.memory_space<hbm>>
      tpu.wait_indirect_dma semaphore(%arg25 : memref<!tpu.dma_semaphore, #tpu.memory_space<semaphore_mem>>) src(%dma_wait3A_69 : memref<480x128xf32, #tpu.memory_space<hbm>>) dst(%arg16 : memref<32x128xf32, #tpu.memory_space<vmem>>)
      %dma_wait3A_70 = arith.constant 0 : i32
      %dma_wait3A_71 = arith.constant 0 : i32
      %dma_wait3A_72 = tpu.memref_slice %arg4[%dma_wait3A_70, %dma_wait3A_71] : memref<736x128xf32, #tpu.memory_space<hbm>> -> memref<736x128xf32, #tpu.memory_space<hbm>>
      tpu.wait_indirect_dma semaphore(%arg26 : memref<!tpu.dma_semaphore, #tpu.memory_space<semaphore_mem>>) src(%dma_wait3A_72 : memref<736x128xf32, #tpu.memory_space<hbm>>) dst(%arg17 : memref<32x128xf32, #tpu.memory_space<vmem>>)
      %scan3A_73 = arith.constant 0 : i32
      %scan3A_74 = arith.constant 0 : i32
      %scan3A_75 = arith.constant 32 : i32
      %scan3A_76 = arith.addi %scan3A_74, %scan3A_75 : i32
      %scan3A_77 = arith.constant 1 : i32
      %scan3A_78 = scf.for %scan3A_81 = %scan3A_74 to %scan3A_76 step %scan3A_77 iter_args(%scan3A_82 = %scan3A_73) -> (i32)  : i32 {
        %get3A = arith.index_cast %scan3A_81 : i32 to index
        %get3A_83 = arith.constant 0 : index
        %get3A_84 = tpu.vector_load %arg15[%get3A, %get3A_83] {strides = array<i32>} : memref<32x128xf32, #tpu.memory_space<vmem>>, vector<1x16xf32>,
        %get3A_85 = vector.shape_cast %get3A_84 : vector<1x16xf32> to vector<16xf32>
        %get3A_86 = arith.index_cast %scan3A_81 : i32 to index
        %get3A_87 = arith.constant 0 : index
        %get3A_88 = tpu.vector_load %arg16[%get3A_86, %get3A_87] {strides = array<i32>} : memref<32x128xf32, #tpu.memory_space<vmem>>, vector<1x16xf32>,
        %get3A_89 = vector.shape_cast %get3A_88 : vector<1x16xf32> to vector<16xf32>
        %add3A_90 = arith.addf %get3A_85, %get3A_89 : vector<16xf32>
        %get3A_91 = arith.index_cast %scan3A_81 : i32 to index
        %get3A_92 = arith.constant 0 : index
        %get3A_93 = tpu.vector_load %arg17[%get3A_91, %get3A_92] {strides = array<i32>} : memref<32x128xf32, #tpu.memory_space<vmem>>, vector<1x16xf32>,
        %get3A_94 = vector.shape_cast %get3A_93 : vector<1x16xf32> to vector<16xf32>
        %add3A_95 = arith.addf %add3A_90, %get3A_94 : vector<16xf32>
        %swap3A = arith.index_cast %scan3A_81 : i32 to index
        %swap3A_96 = arith.constant 0 : index
        %swap3A_97 = tpu.vector_load %arg15[%swap3A, %swap3A_96] {strides = array<i32>} : memref<32x128xf32, #tpu.memory_space<vmem>>, vector<1x16xf32>,
        %swap3A_98 = vector.shape_cast %swap3A_97 : vector<1x16xf32> to vector<16xf32>
        %swap3A_99 = vector.shape_cast %add3A_95 : vector<16xf32> to vector<1x16xf32>
        tpu.vector_store %arg15[%swap3A, %swap3A_96], %swap3A_99 {strides = array<i32>} : memref<32x128xf32, #tpu.memory_space<vmem>>, vector<1x16xf32>,
        %get3A_100 = arith.index_cast %scan3A_81 : i32 to index
        %get3A_101 = arith.constant 16 : index
        %get3A_102 = tpu.vector_load %arg15[%get3A_100, %get3A_101] {strides = array<i32>} : memref<32x128xf32, #tpu.memory_space<vmem>>, vector<1x16xf32>,
        %get3A_103 = vector.shape_cast %get3A_102 : vector<1x16xf32> to vector<16xf32>
        %get3A_104 = arith.index_cast %scan3A_81 : i32 to index
        %get3A_105 = arith.constant 16 : index
        %get3A_106 = tpu.vector_load %arg16[%get3A_104, %get3A_105] {strides = array<i32>} : memref<32x128xf32, #tpu.memory_space<vmem>>, vector<1x16xf32>,
        %get3A_107 = vector.shape_cast %get3A_106 : vector<1x16xf32> to vector<16xf32>
        %add3A_108 = arith.addf %get3A_103, %get3A_107 : vector<16xf32>
        %get3A_109 = arith.index_cast %scan3A_81 : i32 to index
        %get3A_110 = arith.constant 16 : index
        %get3A_111 = tpu.vector_load %arg17[%get3A_109, %get3A_110] {strides = array<i32>} : memref<32x128xf32, #tpu.memory_space<vmem>>, vector<1x16xf32>,
        %get3A_112 = vector.shape_cast %get3A_111 : vector<1x16xf32> to vector<16xf32>
        %add3A_113 = arith.addf %add3A_108, %get3A_112 : vector<16xf32>
        %swap3A_114 = arith.index_cast %scan3A_81 : i32 to index
        %swap3A_115 = arith.constant 16 : index
        %swap3A_116 = tpu.vector_load %arg15[%swap3A_114, %swap3A_115] {strides = array<i32>} : memref<32x128xf32, #tpu.memory_space<vmem>>, vector<1x16xf32>,
        %swap3A_117 = vector.shape_cast %swap3A_116 : vector<1x16xf32> to vector<16xf32>
        %swap3A_118 = vector.shape_cast %add3A_113 : vector<16xf32> to vector<1x16xf32>
        tpu.vector_store %arg15[%swap3A_114, %swap3A_115], %swap3A_118 {strides = array<i32>} : memref<32x128xf32, #tpu.memory_space<vmem>>, vector<1x16xf32>,
        %get3A_119 = arith.index_cast %scan3A_81 : i32 to index
        %get3A_120 = arith.constant 32 : index
        %get3A_121 = tpu.vector_load %arg15[%get3A_119, %get3A_120] {strides = array<i32>} : memref<32x128xf32, #tpu.memory_space<vmem>>, vector<1x16xf32>,
        %get3A_122 = vector.shape_cast %get3A_121 : vector<1x16xf32> to vector<16xf32>
        %get3A_123 = arith.index_cast %scan3A_81 : i32 to index
        %get3A_124 = arith.constant 32 : index
        %get3A_125 = tpu.vector_load %arg16[%get3A_123, %get3A_124] {strides = array<i32>} : memref<32x128xf32, #tpu.memory_space<vmem>>, vector<1x16xf32>,
        %get3A_126 = vector.shape_cast %get3A_125 : vector<1x16xf32> to vector<16xf32>
        %add3A_127 = arith.addf %get3A_122, %get3A_126 : vector<16xf32>
        %get3A_128 = arith.index_cast %scan3A_81 : i32 to index
        %get3A_129 = arith.constant 32 : index
        %get3A_130 = tpu.vector_load %arg17[%get3A_128, %get3A_129] {strides = array<i32>} : memref<32x128xf32, #tpu.memory_space<vmem>>, vector<1x16xf32>,
        %get3A_131 = vector.shape_cast %get3A_130 : vector<1x16xf32> to vector<16xf32>
        %add3A_132 = arith.addf %add3A_127, %get3A_131 : vector<16xf32>
        %swap3A_133 = arith.index_cast %scan3A_81 : i32 to index
        %swap3A_134 = arith.constant 32 : index
        %swap3A_135 = tpu.vector_load %arg15[%swap3A_133, %swap3A_134] {strides = array<i32>} : memref<32x128xf32, #tpu.memory_space<vmem>>, vector<1x16xf32>,
        %swap3A_136 = vector.shape_cast %swap3A_135 : vector<1x16xf32> to vector<16xf32>
        %swap3A_137 = vector.shape_cast %add3A_132 : vector<16xf32> to vector<1x16xf32>
        tpu.vector_store %arg15[%swap3A_133, %swap3A_134], %swap3A_137 {strides = array<i32>} : memref<32x128xf32, #tpu.memory_space<vmem>>, vector<1x16xf32>,
        %get3A_138 = arith.index_cast %scan3A_81 : i32 to index
        %get3A_139 = arith.constant 48 : index
        %get3A_140 = tpu.vector_load %arg15[%get3A_138, %get3A_139] {strides = array<i32>} : memref<32x128xf32, #tpu.memory_space<vmem>>, vector<1x16xf32>,
        %get3A_141 = vector.shape_cast %get3A_140 : vector<1x16xf32> to vector<16xf32>
        %get3A_142 = arith.index_cast %scan3A_81 : i32 to index
        %get3A_143 = arith.constant 48 : index
        %get3A_144 = tpu.vector_load %arg16[%get3A_142, %get3A_143] {strides = array<i32>} : memref<32x128xf32, #tpu.memory_space<vmem>>, vector<1x16xf32>,
        %get3A_145 = vector.shape_cast %get3A_144 : vector<1x16xf32> to vector<16xf32>
        %add3A_146 = arith.addf %get3A_141, %get3A_145 : vector<16xf32>
        %get3A_147 = arith.index_cast %scan3A_81 : i32 to index
        %get3A_148 = arith.constant 48 : index
        %get3A_149 = tpu.vector_load %arg17[%get3A_147, %get3A_148] {strides = array<i32>} : memref<32x128xf32, #tpu.memory_space<vmem>>, vector<1x16xf32>,
        %get3A_150 = vector.shape_cast %get3A_149 : vector<1x16xf32> to vector<16xf32>
        %add3A_151 = arith.addf %add3A_146, %get3A_150 : vector<16xf32>
        %swap3A_152 = arith.index_cast %scan3A_81 : i32 to index
        %swap3A_153 = arith.constant 48 : index
        %swap3A_154 = tpu.vector_load %arg15[%swap3A_152, %swap3A_153] {strides = array<i32>} : memref<32x128xf32, #tpu.memory_space<vmem>>, vector<1x16xf32>,
        %swap3A_155 = vector.shape_cast %swap3A_154 : vector<1x16xf32> to vector<16xf32>
        %swap3A_156 = vector.shape_cast %add3A_151 : vector<16xf32> to vector<1x16xf32>
        tpu.vector_store %arg15[%swap3A_152, %swap3A_153], %swap3A_156 {strides = array<i32>} : memref<32x128xf32, #tpu.memory_space<vmem>>, vector<1x16xf32>,
        %get3A_157 = arith.index_cast %scan3A_81 : i32 to index
        %get3A_158 = arith.constant 64 : index
        %get3A_159 = tpu.vector_load %arg15[%get3A_157, %get3A_158] {strides = array<i32>} : memref<32x128xf32, #tpu.memory_space<vmem>>, vector<1x16xf32>,
        %get3A_160 = vector.shape_cast %get3A_159 : vector<1x16xf32> to vector<16xf32>
        %get3A_161 = arith.index_cast %scan3A_81 : i32 to index
        %get3A_162 = arith.constant 64 : index
        %get3A_163 = tpu.vector_load %arg16[%get3A_161, %get3A_162] {strides = array<i32>} : memref<32x128xf32, #tpu.memory_space<vmem>>, vector<1x16xf32>,
        %get3A_164 = vector.shape_cast %get3A_163 : vector<1x16xf32> to vector<16xf32>
        %add3A_165 = arith.addf %get3A_160, %get3A_164 : vector<16xf32>
        %get3A_166 = arith.index_cast %scan3A_81 : i32 to index
        %get3A_167 = arith.constant 64 : index
        %get3A_168 = tpu.vector_load %arg17[%get3A_166, %get3A_167] {strides = array<i32>} : memref<32x128xf32, #tpu.memory_space<vmem>>, vector<1x16xf32>,
        %get3A_169 = vector.shape_cast %get3A_168 : vector<1x16xf32> to vector<16xf32>
        %add3A_170 = arith.addf %add3A_165, %get3A_169 : vector<16xf32>
        %swap3A_171 = arith.index_cast %scan3A_81 : i32 to index
        %swap3A_172 = arith.constant 64 : index
        %swap3A_173 = tpu.vector_load %arg15[%swap3A_171, %swap3A_172] {strides = array<i32>} : memref<32x128xf32, #tpu.memory_space<vmem>>, vector<1x16xf32>,
        %swap3A_174 = vector.shape_cast %swap3A_173 : vector<1x16xf32> to vector<16xf32>
        %swap3A_175 = vector.shape_cast %add3A_170 : vector<16xf32> to vector<1x16xf32>
        tpu.vector_store %arg15[%swap3A_171, %swap3A_172], %swap3A_175 {strides = array<i32>} : memref<32x128xf32, #tpu.memory_space<vmem>>, vector<1x16xf32>,
        %get3A_176 = arith.index_cast %scan3A_81 : i32 to index
        %get3A_177 = arith.constant 80 : index
        %get3A_178 = tpu.vector_load %arg15[%get3A_176, %get3A_177] {strides = array<i32>} : memref<32x128xf32, #tpu.memory_space<vmem>>, vector<1x16xf32>,
        %get3A_179 = vector.shape_cast %get3A_178 : vector<1x16xf32> to vector<16xf32>
        %get3A_180 = arith.index_cast %scan3A_81 : i32 to index
        %get3A_181 = arith.constant 80 : index
        %get3A_182 = tpu.vector_load %arg16[%get3A_180, %get3A_181] {strides = array<i32>} : memref<32x128xf32, #tpu.memory_space<vmem>>, vector<1x16xf32>,
        %get3A_183 = vector.shape_cast %get3A_182 : vector<1x16xf32> to vector<16xf32>
        %add3A_184 = arith.addf %get3A_179, %get3A_183 : vector<16xf32>
        %get3A_185 = arith.index_cast %scan3A_81 : i32 to index
        %get3A_186 = arith.constant 80 : index
        %get3A_187 = tpu.vector_load %arg17[%get3A_185, %get3A_186] {strides = array<i32>} : memref<32x128xf32, #tpu.memory_space<vmem>>, vector<1x16xf32>,
        %get3A_188 = vector.shape_cast %get3A_187 : vector<1x16xf32> to vector<16xf32>
        %add3A_189 = arith.addf %add3A_184, %get3A_188 : vector<16xf32>
        %swap3A_190 = arith.index_cast %scan3A_81 : i32 to index
        %swap3A_191 = arith.constant 80 : index
        %swap3A_192 = tpu.vector_load %arg15[%swap3A_190, %swap3A_191] {strides = array<i32>} : memref<32x128xf32, #tpu.memory_space<vmem>>, vector<1x16xf32>,
        %swap3A_193 = vector.shape_cast %swap3A_192 : vector<1x16xf32> to vector<16xf32>
        %swap3A_194 = vector.shape_cast %add3A_189 : vector<16xf32> to vector<1x16xf32>
        tpu.vector_store %arg15[%swap3A_190, %swap3A_191], %swap3A_194 {strides = array<i32>} : memref<32x128xf32, #tpu.memory_space<vmem>>, vector<1x16xf32>,
        %get3A_195 = arith.index_cast %scan3A_81 : i32 to index
        %get3A_196 = arith.constant 96 : index
        %get3A_197 = tpu.vector_load %arg15[%get3A_195, %get3A_196] {strides = array<i32>} : memref<32x128xf32, #tpu.memory_space<vmem>>, vector<1x16xf32>,
        %get3A_198 = vector.shape_cast %get3A_197 : vector<1x16xf32> to vector<16xf32>
        %get3A_199 = arith.index_cast %scan3A_81 : i32 to index
        %get3A_200 = arith.constant 96 : index
        %get3A_201 = tpu.vector_load %arg16[%get3A_199, %get3A_200] {strides = array<i32>} : memref<32x128xf32, #tpu.memory_space<vmem>>, vector<1x16xf32>,
        %get3A_202 = vector.shape_cast %get3A_201 : vector<1x16xf32> to vector<16xf32>
        %add3A_203 = arith.addf %get3A_198, %get3A_202 : vector<16xf32>
        %get3A_204 = arith.index_cast %scan3A_81 : i32 to index
        %get3A_205 = arith.constant 96 : index
        %get3A_206 = tpu.vector_load %arg17[%get3A_204, %get3A_205] {strides = array<i32>} : memref<32x128xf32, #tpu.memory_space<vmem>>, vector<1x16xf32>,
        %get3A_207 = vector.shape_cast %get3A_206 : vector<1x16xf32> to vector<16xf32>
        %add3A_208 = arith.addf %add3A_203, %get3A_207 : vector<16xf32>
        %swap3A_209 = arith.index_cast %scan3A_81 : i32 to index
        %swap3A_210 = arith.constant 96 : index
        %swap3A_211 = tpu.vector_load %arg15[%swap3A_209, %swap3A_210] {strides = array<i32>} : memref<32x128xf32, #tpu.memory_space<vmem>>, vector<1x16xf32>,
        %swap3A_212 = vector.shape_cast %swap3A_211 : vector<1x16xf32> to vector<16xf32>
        %swap3A_213 = vector.shape_cast %add3A_208 : vector<16xf32> to vector<1x16xf32>
        tpu.vector_store %arg15[%swap3A_209, %swap3A_210], %swap3A_213 {strides = array<i32>} : memref<32x128xf32, #tpu.memory_space<vmem>>, vector<1x16xf32>,
        %get3A_214 = arith.index_cast %scan3A_81 : i32 to index
        %get3A_215 = arith.constant 112 : index
        %get3A_216 = tpu.vector_load %arg15[%get3A_214, %get3A_215] {strides = array<i32>} : memref<32x128xf32, #tpu.memory_space<vmem>>, vector<1x16xf32>,
        %get3A_217 = vector.shape_cast %get3A_216 : vector<1x16xf32> to vector<16xf32>
        %get3A_218 = arith.index_cast %scan3A_81 : i32 to index
        %get3A_219 = arith.constant 112 : index
        %get3A_220 = tpu.vector_load %arg16[%get3A_218, %get3A_219] {strides = array<i32>} : memref<32x128xf32, #tpu.memory_space<vmem>>, vector<1x16xf32>,
        %get3A_221 = vector.shape_cast %get3A_220 : vector<1x16xf32> to vector<16xf32>
        %add3A_222 = arith.addf %get3A_217, %get3A_221 : vector<16xf32>
        %get3A_223 = arith.index_cast %scan3A_81 : i32 to index
        %get3A_224 = arith.constant 112 : index
        %get3A_225 = tpu.vector_load %arg17[%get3A_223, %get3A_224] {strides = array<i32>} : memref<32x128xf32, #tpu.memory_space<vmem>>, vector<1x16xf32>,
        %get3A_226 = vector.shape_cast %get3A_225 : vector<1x16xf32> to vector<16xf32>
        %add3A_227 = arith.addf %add3A_222, %get3A_226 : vector<16xf32>
        %swap3A_228 = arith.index_cast %scan3A_81 : i32 to index
        %swap3A_229 = arith.constant 112 : index
        %swap3A_230 = tpu.vector_load %arg15[%swap3A_228, %swap3A_229] {strides = array<i32>} : memref<32x128xf32, #tpu.memory_space<vmem>>, vector<1x16xf32>,
        %swap3A_231 = vector.shape_cast %swap3A_230 : vector<1x16xf32> to vector<16xf32>
        %swap3A_232 = vector.shape_cast %add3A_227 : vector<16xf32> to vector<1x16xf32>
        tpu.vector_store %arg15[%swap3A_228, %swap3A_229], %swap3A_232 {strides = array<i32>} : memref<32x128xf32, #tpu.memory_space<vmem>>, vector<1x16xf32>,
        %scan3A_233 = arith.constant 0 : i32
        scf.yield %scan3A_233 : i32
      }
      %scan3A_79 = arith.constant 32 : i32
      "tpu.region"() ({
        %run_scoped3A = tpu.sem_alloc : memref<!tpu.dma_semaphore, #tpu.memory_space<semaphore_mem>>
        %dma_start3A_81 = arith.constant 0 : i32
        %dma_start3A_82 = arith.constant 0 : i32
        %dma_start3A_83 = tpu.memref_slice %arg14[%dma_start3A_81, %dma_start3A_82] : memref<10240x128xf32, #tpu.memory_space<vmem_shared>> -> memref<10240x128xf32, #tpu.memory_space<vmem_shared>>
        tpu.enqueue_indirect_dma source(%arg15 : memref<32x128xf32, #tpu.memory_space<vmem>>) target(%dma_start3A_83 : memref<10240x128xf32, #tpu.memory_space<vmem_shared>>) offsets(%arg22 : memref<32xi32, #tpu.memory_space<vmem>>) semaphore(%run_scoped3A : memref<!tpu.dma_semaphore, #tpu.memory_space<semaphore_mem>>) {add = true}
        %dma_wait3A_84 = arith.constant 0 : i32
        %dma_wait3A_85 = arith.constant 0 : i32
        %dma_wait3A_86 = tpu.memref_slice %arg14[%dma_wait3A_84, %dma_wait3A_85] : memref<10240x128xf32, #tpu.memory_space<vmem_shared>> -> memref<10240x128xf32, #tpu.memory_space<vmem_shared>>
        tpu.wait_indirect_dma semaphore(%run_scoped3A : memref<!tpu.dma_semaphore, #tpu.memory_space<semaphore_mem>>) src(%arg15 : memref<32x128xf32, #tpu.memory_space<vmem>>) dst(%dma_wait3A_86 : memref<10240x128xf32, #tpu.memory_space<vmem_shared>>)
        tpu.yield
      }) : () -> ()
      %scan3A_80 = arith.constant 0 : i32
      scf.yield %scan3A_80 : i32
    }
    %scan3A_19 = arith.constant 313 : i32
    %barrier3A_20 = arith.constant 0 : index
    tpu.barrier barrier_id(%barrier3A_20)
    %scan3A_21 = arith.constant 0 : i32
    %scan3A_22 = arith.constant 0 : i32
    %scan3A_23 = arith.constant 20 : i32
    %scan3A_24 = arith.addi %scan3A_22, %scan3A_23 : i32
    %scan3A_25 = arith.constant 1 : i32
    %scan3A_26 = scf.for %scan3A_52 = %scan3A_22 to %scan3A_24 step %scan3A_25 iter_args(%scan3A_53 = %scan3A_21) -> (i32)  : i32 {
      %mul3A_54 = arith.constant 32 : i32
      %mul3A_55 = arith.muli %scan3A_52, %mul3A_54 : i32
      %add3A_56 = arith.addi %mul3A_0, %mul3A_55 : i32
      "tpu.region"() ({
        %run_scoped3A = tpu.sem_alloc : memref<!tpu.dma_semaphore, #tpu.memory_space<semaphore_mem>>
        %dma_start3A = tpu.memref_slice %arg9[%add3A_56] : memref<10240xi32, #tpu.memory_space<hbm>> -> memref<32xi32, #tpu.memory_space<hbm>>
        %dma_start3A_62 = tpu.memref_slice %arg9[%add3A_56] : memref<10240xi32, #tpu.memory_space<hbm>> -> memref<32xi32, #tpu.memory_space<hbm>>
        tpu.enqueue_dma source(%dma_start3A_62 : memref<32xi32, #tpu.memory_space<hbm>>) target(%arg23 : memref<32xi32, #tpu.memory_space<vmem>>) target_semaphore(%run_scoped3A : memref<!tpu.dma_semaphore, #tpu.memory_space<semaphore_mem>>)
        %dma_wait3A = tpu.memref_slice %arg9[%add3A_56] : memref<10240xi32, #tpu.memory_space<hbm>> -> memref<32xi32, #tpu.memory_space<hbm>>
        %dma_wait3A_63 = tpu.memref_slice %arg9[%add3A_56] : memref<10240xi32, #tpu.memory_space<hbm>> -> memref<32xi32, #tpu.memory_space<hbm>>
        tpu.wait_dma2 semaphore(%run_scoped3A : memref<!tpu.dma_semaphore, #tpu.memory_space<semaphore_mem>>) src(%dma_wait3A_63 : memref<32xi32, #tpu.memory_space<hbm>>) dst(%arg23 : memref<32xi32, #tpu.memory_space<vmem>>)
        tpu.yield
      }) : () -> ()
      "tpu.region"() ({
        %run_scoped3A = tpu.sem_alloc : memref<!tpu.dma_semaphore, #tpu.memory_space<semaphore_mem>>
        %dma_start3A = arith.constant 0 : i32
        %dma_start3A_62 = arith.constant 0 : i32
        %dma_start3A_63 = tpu.memref_slice %arg14[%dma_start3A, %dma_start3A_62] : memref<10240x128xf32, #tpu.memory_space<vmem_shared>> -> memref<10240x128xf32, #tpu.memory_space<vmem_shared>>
        tpu.enqueue_indirect_dma source(%dma_start3A_63 : memref<10240x128xf32, #tpu.memory_space<vmem_shared>>) target(%arg15 : memref<32x128xf32, #tpu.memory_space<vmem>>) offsets(%arg23 : memref<32xi32, #tpu.memory_space<vmem>>) semaphore(%run_scoped3A : memref<!tpu.dma_semaphore, #tpu.memory_space<semaphore_mem>>)
        %dma_wait3A = arith.constant 0 : i32
        %dma_wait3A_64 = arith.constant 0 : i32
        %dma_wait3A_65 = tpu.memref_slice %arg14[%dma_wait3A, %dma_wait3A_64] : memref<10240x128xf32, #tpu.memory_space<vmem_shared>> -> memref<10240x128xf32, #tpu.memory_space<vmem_shared>>
        tpu.wait_indirect_dma semaphore(%run_scoped3A : memref<!tpu.dma_semaphore, #tpu.memory_space<semaphore_mem>>) src(%dma_wait3A_65 : memref<10240x128xf32, #tpu.memory_space<vmem_shared>>) dst(%arg15 : memref<32x128xf32, #tpu.memory_space<vmem>>)
        tpu.yield
      }) : () -> ()
      %add3A_57 = arith.addi %mul3A_2, %mul3A_0 : i32
      %mul3A_58 = arith.constant 32 : i32
      %mul3A_59 = arith.muli %scan3A_52, %mul3A_58 : i32
      %add3A_60 = arith.addi %add3A_57, %mul3A_59 : i32
      "tpu.region"() ({
        %run_scoped3A = tpu.sem_alloc : memref<!tpu.dma_semaphore, #tpu.memory_space<semaphore_mem>>
        %dma_start3A = arith.constant 0 : i32
        %dma_start3A_62 = tpu.memref_slice %arg12[%add3A_60, %dma_start3A] : memref<20480x128xf32, #tpu.memory_space<hbm>> -> memref<32x128xf32, #tpu.memory_space<hbm>>
        %dma_start3A_63 = arith.constant 0 : i32
        %dma_start3A_64 = tpu.memref_slice %arg12[%add3A_60, %dma_start3A_63] : memref<20480x128xf32, #tpu.memory_space<hbm>> -> memref<32x128xf32, #tpu.memory_space<hbm>>
        tpu.enqueue_dma source(%arg15 : memref<32x128xf32, #tpu.memory_space<vmem>>) target(%dma_start3A_64 : memref<32x128xf32, #tpu.memory_space<hbm>>) target_semaphore(%run_scoped3A : memref<!tpu.dma_semaphore, #tpu.memory_space<semaphore_mem>>)
        %dma_wait3A = arith.constant 0 : i32
        %dma_wait3A_65 = tpu.memref_slice %arg12[%add3A_60, %dma_wait3A] : memref<20480x128xf32, #tpu.memory_space<hbm>> -> memref<32x128xf32, #tpu.memory_space<hbm>>
        %dma_wait3A_66 = arith.constant 0 : i32
        %dma_wait3A_67 = tpu.memref_slice %arg12[%add3A_60, %dma_wait3A_66] : memref<20480x128xf32, #tpu.memory_space<hbm>> -> memref<32x128xf32, #tpu.memory_space<hbm>>
        tpu.wait_dma2 semaphore(%run_scoped3A : memref<!tpu.dma_semaphore, #tpu.memory_space<semaphore_mem>>) src(%arg15 : memref<32x128xf32, #tpu.memory_space<vmem>>) dst(%dma_wait3A_67 : memref<32x128xf32, #tpu.memory_space<hbm>>)
        tpu.yield
      }) : () -> ()
      %scan3A_61 = arith.constant 0 : i32
      scf.yield %scan3A_61 : i32
    }
    %scan3A_27 = arith.constant 20 : i32
    %barrier3A_28 = arith.constant 0 : index
    tpu.barrier barrier_id(%barrier3A_28)
    "tpu.region"() ({
      %run_scoped3A = tpu.sem_alloc : memref<!tpu.dma_semaphore, #tpu.memory_space<semaphore_mem>>
      tpu.enqueue_dma source(%arg10 : memref<32x128xf32, #tpu.memory_space<hbm>>) target(%arg16 : memref<32x128xf32, #tpu.memory_space<vmem>>) target_semaphore(%run_scoped3A : memref<!tpu.dma_semaphore, #tpu.memory_space<semaphore_mem>>)
      tpu.wait_dma2 semaphore(%run_scoped3A : memref<!tpu.dma_semaphore, #tpu.memory_space<semaphore_mem>>) src(%arg10 : memref<32x128xf32, #tpu.memory_space<hbm>>) dst(%arg16 : memref<32x128xf32, #tpu.memory_space<vmem>>)
      tpu.yield
    }) : () -> ()
    %scan3A_29 = arith.constant 0 : i32
    %scan3A_30 = arith.constant 0 : i32
    %scan3A_31 = arith.constant 20 : i32
    %scan3A_32 = arith.addi %scan3A_30, %scan3A_31 : i32
    %scan3A_33 = arith.constant 1 : i32
    %scan3A_34 = scf.for %scan3A_52 = %scan3A_30 to %scan3A_32 step %scan3A_33 iter_args(%scan3A_53 = %scan3A_29) -> (i32)  : i32 {
      %mul3A_54 = arith.constant 32 : i32
      %mul3A_55 = arith.muli %scan3A_52, %mul3A_54 : i32
      %add3A_56 = arith.addi %mul3A_0, %mul3A_55 : i32
      "tpu.region"() ({
        %run_scoped3A = tpu.sem_alloc : memref<!tpu.dma_semaphore, #tpu.memory_space<semaphore_mem>>
        %dma_start3A = tpu.memref_slice %arg9[%add3A_56] : memref<10240xi32, #tpu.memory_space<hbm>> -> memref<32xi32, #tpu.memory_space<hbm>>
        %dma_start3A_58 = tpu.memref_slice %arg9[%add3A_56] : memref<10240xi32, #tpu.memory_space<hbm>> -> memref<32xi32, #tpu.memory_space<hbm>>
        tpu.enqueue_dma source(%dma_start3A_58 : memref<32xi32, #tpu.memory_space<hbm>>) target(%arg23 : memref<32xi32, #tpu.memory_space<vmem>>) target_semaphore(%run_scoped3A : memref<!tpu.dma_semaphore, #tpu.memory_space<semaphore_mem>>)
        %dma_wait3A = tpu.memref_slice %arg9[%add3A_56] : memref<10240xi32, #tpu.memory_space<hbm>> -> memref<32xi32, #tpu.memory_space<hbm>>
        %dma_wait3A_59 = tpu.memref_slice %arg9[%add3A_56] : memref<10240xi32, #tpu.memory_space<hbm>> -> memref<32xi32, #tpu.memory_space<hbm>>
        tpu.wait_dma2 semaphore(%run_scoped3A : memref<!tpu.dma_semaphore, #tpu.memory_space<semaphore_mem>>) src(%dma_wait3A_59 : memref<32xi32, #tpu.memory_space<hbm>>) dst(%arg23 : memref<32xi32, #tpu.memory_space<vmem>>)
        tpu.yield
      }) : () -> ()
      "tpu.region"() ({
        %run_scoped3A = tpu.sem_alloc : memref<!tpu.dma_semaphore, #tpu.memory_space<semaphore_mem>>
        %dma_start3A = arith.constant 0 : i32
        %dma_start3A_58 = arith.constant 0 : i32
        %dma_start3A_59 = tpu.memref_slice %arg14[%dma_start3A, %dma_start3A_58] : memref<10240x128xf32, #tpu.memory_space<vmem_shared>> -> memref<10240x128xf32, #tpu.memory_space<vmem_shared>>
        tpu.enqueue_indirect_dma source(%arg16 : memref<32x128xf32, #tpu.memory_space<vmem>>) target(%dma_start3A_59 : memref<10240x128xf32, #tpu.memory_space<vmem_shared>>) offsets(%arg23 : memref<32xi32, #tpu.memory_space<vmem>>) semaphore(%run_scoped3A : memref<!tpu.dma_semaphore, #tpu.memory_space<semaphore_mem>>)
        %dma_wait3A = arith.constant 0 : i32
        %dma_wait3A_60 = arith.constant 0 : i32
        %dma_wait3A_61 = tpu.memref_slice %arg14[%dma_wait3A, %dma_wait3A_60] : memref<10240x128xf32, #tpu.memory_space<vmem_shared>> -> memref<10240x128xf32, #tpu.memory_space<vmem_shared>>
        tpu.wait_indirect_dma semaphore(%run_scoped3A : memref<!tpu.dma_semaphore, #tpu.memory_space<semaphore_mem>>) src(%arg16 : memref<32x128xf32, #tpu.memory_space<vmem>>) dst(%dma_wait3A_61 : memref<10240x128xf32, #tpu.memory_space<vmem_shared>>)
        tpu.yield
      }) : () -> ()
      %scan3A_57 = arith.constant 0 : i32
      scf.yield %scan3A_57 : i32
    }
    %scan3A_35 = arith.constant 20 : i32
    %barrier3A_36 = arith.constant 0 : index
    tpu.barrier barrier_id(%barrier3A_36)
    %scan3A_37 = arith.constant 0 : i32
    %scan3A_38 = arith.constant 0 : i32
    %scan3A_39 = arith.constant 313 : i32
    %scan3A_40 = arith.addi %scan3A_38, %scan3A_39 : i32
    %scan3A_41 = arith.constant 1 : i32
    %scan3A_42 = scf.for %scan3A_52 = %scan3A_38 to %scan3A_40 step %scan3A_41 iter_args(%scan3A_53 = %scan3A_37) -> (i32)  : i32 {
      %mul3A_54 = arith.constant 32 : i32
      %mul3A_55 = arith.muli %scan3A_52, %mul3A_54 : i32
      %add3A_56 = arith.addi %mul3A_6, %mul3A_55 : i32
      "tpu.region"() ({
        %run_scoped3A = tpu.sem_alloc : memref<!tpu.dma_semaphore, #tpu.memory_space<semaphore_mem>>
        %dma_start3A = tpu.memref_slice %arg8[%add3A_56] : memref<320512xi32, #tpu.memory_space<hbm>> -> memref<32xi32, #tpu.memory_space<hbm>>
        %dma_start3A_58 = tpu.memref_slice %arg8[%add3A_56] : memref<320512xi32, #tpu.memory_space<hbm>> -> memref<32xi32, #tpu.memory_space<hbm>>
        tpu.enqueue_dma source(%dma_start3A_58 : memref<32xi32, #tpu.memory_space<hbm>>) target(%arg22 : memref<32xi32, #tpu.memory_space<vmem>>) target_semaphore(%run_scoped3A : memref<!tpu.dma_semaphore, #tpu.memory_space<semaphore_mem>>)
        %dma_wait3A = tpu.memref_slice %arg8[%add3A_56] : memref<320512xi32, #tpu.memory_space<hbm>> -> memref<32xi32, #tpu.memory_space<hbm>>
        %dma_wait3A_59 = tpu.memref_slice %arg8[%add3A_56] : memref<320512xi32, #tpu.memory_space<hbm>> -> memref<32xi32, #tpu.memory_space<hbm>>
        tpu.wait_dma2 semaphore(%run_scoped3A : memref<!tpu.dma_semaphore, #tpu.memory_space<semaphore_mem>>) src(%dma_wait3A_59 : memref<32xi32, #tpu.memory_space<hbm>>) dst(%arg22 : memref<32xi32, #tpu.memory_space<vmem>>)
        tpu.yield
      }) : () -> ()
      "tpu.region"() ({
        %run_scoped3A = tpu.sem_alloc : memref<!tpu.dma_semaphore, #tpu.memory_space<semaphore_mem>>
        %dma_start3A = arith.constant 0 : i32
        %dma_start3A_58 = arith.constant 0 : i32
        %dma_start3A_59 = tpu.memref_slice %arg14[%dma_start3A, %dma_start3A_58] : memref<10240x128xf32, #tpu.memory_space<vmem_shared>> -> memref<10240x128xf32, #tpu.memory_space<vmem_shared>>
        tpu.enqueue_indirect_dma source(%arg18 : memref<32x128xf32, #tpu.memory_space<vmem>>) target(%dma_start3A_59 : memref<10240x128xf32, #tpu.memory_space<vmem_shared>>) offsets(%arg22 : memref<32xi32, #tpu.memory_space<vmem>>) semaphore(%run_scoped3A : memref<!tpu.dma_semaphore, #tpu.memory_space<semaphore_mem>>) {add = true}
        %dma_wait3A = arith.constant 0 : i32
        %dma_wait3A_60 = arith.constant 0 : i32
        %dma_wait3A_61 = tpu.memref_slice %arg14[%dma_wait3A, %dma_wait3A_60] : memref<10240x128xf32, #tpu.memory_space<vmem_shared>> -> memref<10240x128xf32, #tpu.memory_space<vmem_shared>>
        tpu.wait_indirect_dma semaphore(%run_scoped3A : memref<!tpu.dma_semaphore, #tpu.memory_space<semaphore_mem>>) src(%arg18 : memref<32x128xf32, #tpu.memory_space<vmem>>) dst(%dma_wait3A_61 : memref<10240x128xf32, #tpu.memory_space<vmem_shared>>)
        tpu.yield
      }) : () -> ()
      %scan3A_57 = arith.constant 0 : i32
      scf.yield %scan3A_57 : i32
    }
    %scan3A_43 = arith.constant 313 : i32
    %barrier3A_44 = arith.constant 0 : index
    tpu.barrier barrier_id(%barrier3A_44)
    %scan3A_45 = arith.constant 0 : i32
    %scan3A_46 = arith.constant 0 : i32
    %scan3A_47 = arith.constant 20 : i32
    %scan3A_48 = arith.addi %scan3A_46, %scan3A_47 : i32
    %scan3A_49 = arith.constant 1 : i32
    %scan3A_50 = scf.for %scan3A_52 = %scan3A_46 to %scan3A_48 step %scan3A_49 iter_args(%scan3A_53 = %scan3A_45) -> (i32)  : i32 {
      %mul3A_54 = arith.constant 32 : i32
      %mul3A_55 = arith.muli %scan3A_52, %mul3A_54 : i32
      %add3A_56 = arith.addi %mul3A_0, %mul3A_55 : i32
      "tpu.region"() ({
        %run_scoped3A = tpu.sem_alloc : memref<!tpu.dma_semaphore, #tpu.memory_space<semaphore_mem>>
        %dma_start3A = tpu.memref_slice %arg9[%add3A_56] : memref<10240xi32, #tpu.memory_space<hbm>> -> memref<32xi32, #tpu.memory_space<hbm>>
        %dma_start3A_62 = tpu.memref_slice %arg9[%add3A_56] : memref<10240xi32, #tpu.memory_space<hbm>> -> memref<32xi32, #tpu.memory_space<hbm>>
        tpu.enqueue_dma source(%dma_start3A_62 : memref<32xi32, #tpu.memory_space<hbm>>) target(%arg23 : memref<32xi32, #tpu.memory_space<vmem>>) target_semaphore(%run_scoped3A : memref<!tpu.dma_semaphore, #tpu.memory_space<semaphore_mem>>)
        %dma_wait3A = tpu.memref_slice %arg9[%add3A_56] : memref<10240xi32, #tpu.memory_space<hbm>> -> memref<32xi32, #tpu.memory_space<hbm>>
        %dma_wait3A_63 = tpu.memref_slice %arg9[%add3A_56] : memref<10240xi32, #tpu.memory_space<hbm>> -> memref<32xi32, #tpu.memory_space<hbm>>
        tpu.wait_dma2 semaphore(%run_scoped3A : memref<!tpu.dma_semaphore, #tpu.memory_space<semaphore_mem>>) src(%dma_wait3A_63 : memref<32xi32, #tpu.memory_space<hbm>>) dst(%arg23 : memref<32xi32, #tpu.memory_space<vmem>>)
        tpu.yield
      }) : () -> ()
      "tpu.region"() ({
        %run_scoped3A = tpu.sem_alloc : memref<!tpu.dma_semaphore, #tpu.memory_space<semaphore_mem>>
        %dma_start3A = arith.constant 0 : i32
        %dma_start3A_62 = arith.constant 0 : i32
        %dma_start3A_63 = tpu.memref_slice %arg14[%dma_start3A, %dma_start3A_62] : memref<10240x128xf32, #tpu.memory_space<vmem_shared>> -> memref<10240x128xf32, #tpu.memory_space<vmem_shared>>
        tpu.enqueue_indirect_dma source(%dma_start3A_63 : memref<10240x128xf32, #tpu.memory_space<vmem_shared>>) target(%arg15 : memref<32x128xf32, #tpu.memory_space<vmem>>) offsets(%arg23 : memref<32xi32, #tpu.memory_space<vmem>>) semaphore(%run_scoped3A : memref<!tpu.dma_semaphore, #tpu.memory_space<semaphore_mem>>)
        %dma_wait3A = arith.constant 0 : i32
        %dma_wait3A_64 = arith.constant 0 : i32
        %dma_wait3A_65 = tpu.memref_slice %arg14[%dma_wait3A, %dma_wait3A_64] : memref<10240x128xf32, #tpu.memory_space<vmem_shared>> -> memref<10240x128xf32, #tpu.memory_space<vmem_shared>>
        tpu.wait_indirect_dma semaphore(%run_scoped3A : memref<!tpu.dma_semaphore, #tpu.memory_space<semaphore_mem>>) src(%dma_wait3A_65 : memref<10240x128xf32, #tpu.memory_space<vmem_shared>>) dst(%arg15 : memref<32x128xf32, #tpu.memory_space<vmem>>)
        tpu.yield
      }) : () -> ()
      %add3A_57 = arith.addi %mul3A_2, %mul3A_0 : i32
      %mul3A_58 = arith.constant 32 : i32
      %mul3A_59 = arith.muli %scan3A_52, %mul3A_58 : i32
      %add3A_60 = arith.addi %add3A_57, %mul3A_59 : i32
      "tpu.region"() ({
        %run_scoped3A = tpu.sem_alloc : memref<!tpu.dma_semaphore, #tpu.memory_space<semaphore_mem>>
        %dma_start3A = arith.constant 0 : i32
        %dma_start3A_62 = tpu.memref_slice %arg13[%add3A_60, %dma_start3A] : memref<20480x128xf32, #tpu.memory_space<hbm>> -> memref<32x128xf32, #tpu.memory_space<hbm>>
        %dma_start3A_63 = arith.constant 0 : i32
        %dma_start3A_64 = tpu.memref_slice %arg13[%add3A_60, %dma_start3A_63] : memref<20480x128xf32, #tpu.memory_space<hbm>> -> memref<32x128xf32, #tpu.memory_space<hbm>>
        tpu.enqueue_dma source(%arg15 : memref<32x128xf32, #tpu.memory_space<vmem>>) target(%dma_start3A_64 : memref<32x128xf32, #tpu.memory_space<hbm>>) target_semaphore(%run_scoped3A : memref<!tpu.dma_semaphore, #tpu.memory_space<semaphore_mem>>)
        %dma_wait3A = arith.constant 0 : i32
        %dma_wait3A_65 = tpu.memref_slice %arg13[%add3A_60, %dma_wait3A] : memref<20480x128xf32, #tpu.memory_space<hbm>> -> memref<32x128xf32, #tpu.memory_space<hbm>>
        %dma_wait3A_66 = arith.constant 0 : i32
        %dma_wait3A_67 = tpu.memref_slice %arg13[%add3A_60, %dma_wait3A_66] : memref<20480x128xf32, #tpu.memory_space<hbm>> -> memref<32x128xf32, #tpu.memory_space<hbm>>
        tpu.wait_dma2 semaphore(%run_scoped3A : memref<!tpu.dma_semaphore, #tpu.memory_space<semaphore_mem>>) src(%arg15 : memref<32x128xf32, #tpu.memory_space<vmem>>) dst(%dma_wait3A_67 : memref<32x128xf32, #tpu.memory_space<hbm>>)
        tpu.yield
      }) : () -> ()
      %scan3A_61 = arith.constant 0 : i32
      scf.yield %scan3A_61 : i32
    }
    %scan3A_51 = arith.constant 20 : i32
    return
  }
}

module attributes {stable_mosaic.version = 14 : i64} {
  func.func @_tables_body(%arg0: memref<240x128xf32, #tpu.memory_space<vmem>>, %arg1: memref<368x128xf32, #tpu.memory_space<vmem>>, %arg2: memref<128x128xf32, #tpu.memory_space<vmem>>, %arg3: memref<128x128xf32, #tpu.memory_space<vmem>>, %arg4: memref<128x128xf32, #tpu.memory_space<vmem>>, %arg5: memref<128x128xf32, #tpu.memory_space<vmem>>, %arg6: memref<128x128xf32, #tpu.memory_space<vmem>>, %arg7: memref<1x128xf32, #tpu.memory_space<vmem>>, %arg8: memref<1x128xf32, #tpu.memory_space<vmem>>, %arg9: memref<1x128xf32, #tpu.memory_space<vmem>>, %arg10: memref<240x128xf32, #tpu.memory_space<vmem>>, %arg11: memref<240x128xf32, #tpu.memory_space<vmem>>, %arg12: memref<368x128xf32, #tpu.memory_space<vmem>>, %arg13: memref<368x128xf32, #tpu.memory_space<vmem>>, %arg14: memref<368x128xf32, #tpu.memory_space<vmem>>) attributes {dimension_semantics = [], scalar_prefetch = 0 : i64, scratch_operands = 0 : i64, tpu.core_type = #tpu.core_type<tc>} {
    %get3A = arith.constant 0 : index
    %get3A_0 = arith.constant 0 : index
    %get3A_1 = vector.load %arg0[%get3A, %get3A_0] : memref<240x128xf32, #tpu.memory_space<vmem>>, vector<240x128xf32>
    %get3A_2 = arith.constant 0 : index
    %get3A_3 = arith.constant 0 : index
    %get3A_4 = vector.load %arg1[%get3A_2, %get3A_3] : memref<368x128xf32, #tpu.memory_space<vmem>>, vector<368x128xf32>
    %get3A_5 = arith.constant 0 : index
    %get3A_6 = arith.constant 0 : index
    %get3A_7 = vector.load %arg2[%get3A_5, %get3A_6] : memref<128x128xf32, #tpu.memory_space<vmem>>, vector<128x128xf32>
    %dot_general3A = arith.constant dense<0.000000e+00> : vector<240x128xf32>
    %dot_general3A_8 = tpu.matmul %get3A_1, %get3A_7, %dot_general3A {dimension_numbers = #tpu.dot_dimension_numbers<[1], [0], [0], [1], [0, 0, 1, 1], [], []>, transpose_lhs_hint = false} : vector<240x128xf32>, vector<128x128xf32>, vector<240x128xf32> -> vector<240x128xf32>
    %get3A_9 = arith.constant 0 : index
    %get3A_10 = arith.constant 0 : index
    %get3A_11 = vector.load %arg7[%get3A_9, %get3A_10] : memref<1x128xf32, #tpu.memory_space<vmem>>, vector<1x128xf32>
    %add3A = vector.broadcast %get3A_11 : vector<1x128xf32> to vector<240x128xf32>
    %add3A_12 = arith.addf %dot_general3A_8, %add3A : vector<240x128xf32>
    %swap3A = arith.constant 0 : index
    %swap3A_13 = arith.constant 0 : index
    %swap3A_14 = vector.load %arg10[%swap3A, %swap3A_13] : memref<240x128xf32, #tpu.memory_space<vmem>>, vector<240x128xf32>
    tpu.vector_store %arg10[%swap3A, %swap3A_13], %add3A_12 {strides = array<i32>} : memref<240x128xf32, #tpu.memory_space<vmem>>, vector<240x128xf32>,
    %get3A_15 = arith.constant 0 : index
    %get3A_16 = arith.constant 0 : index
    %get3A_17 = vector.load %arg3[%get3A_15, %get3A_16] : memref<128x128xf32, #tpu.memory_space<vmem>>, vector<128x128xf32>
    %dot_general3A_18 = arith.constant dense<0.000000e+00> : vector<240x128xf32>
    %dot_general3A_19 = tpu.matmul %get3A_1, %get3A_17, %dot_general3A_18 {dimension_numbers = #tpu.dot_dimension_numbers<[1], [0], [0], [1], [0, 0, 1, 1], [], []>, transpose_lhs_hint = false} : vector<240x128xf32>, vector<128x128xf32>, vector<240x128xf32> -> vector<240x128xf32>
    %get3A_20 = arith.constant 0 : index
    %get3A_21 = arith.constant 0 : index
    %get3A_22 = vector.load %arg8[%get3A_20, %get3A_21] : memref<1x128xf32, #tpu.memory_space<vmem>>, vector<1x128xf32>
    %add3A_23 = vector.broadcast %get3A_22 : vector<1x128xf32> to vector<240x128xf32>
    %add3A_24 = arith.addf %dot_general3A_19, %add3A_23 : vector<240x128xf32>
    %swap3A_25 = arith.constant 0 : index
    %swap3A_26 = arith.constant 0 : index
    %swap3A_27 = vector.load %arg11[%swap3A_25, %swap3A_26] : memref<240x128xf32, #tpu.memory_space<vmem>>, vector<240x128xf32>
    tpu.vector_store %arg11[%swap3A_25, %swap3A_26], %add3A_24 {strides = array<i32>} : memref<240x128xf32, #tpu.memory_space<vmem>>, vector<240x128xf32>,
    %get3A_28 = arith.constant 0 : index
    %get3A_29 = arith.constant 0 : index
    %get3A_30 = vector.load %arg4[%get3A_28, %get3A_29] : memref<128x128xf32, #tpu.memory_space<vmem>>, vector<128x128xf32>
    %dot_general3A_31 = arith.constant dense<0.000000e+00> : vector<368x128xf32>
    %dot_general3A_32 = tpu.matmul %get3A_4, %get3A_30, %dot_general3A_31 {dimension_numbers = #tpu.dot_dimension_numbers<[1], [0], [0], [1], [0, 0, 1, 1], [], []>, transpose_lhs_hint = false} : vector<368x128xf32>, vector<128x128xf32>, vector<368x128xf32> -> vector<368x128xf32>
    %swap3A_33 = arith.constant 0 : index
    %swap3A_34 = arith.constant 0 : index
    %swap3A_35 = vector.load %arg12[%swap3A_33, %swap3A_34] : memref<368x128xf32, #tpu.memory_space<vmem>>, vector<368x128xf32>
    tpu.vector_store %arg12[%swap3A_33, %swap3A_34], %dot_general3A_32 {strides = array<i32>} : memref<368x128xf32, #tpu.memory_space<vmem>>, vector<368x128xf32>,
    %get3A_36 = arith.constant 0 : index
    %get3A_37 = arith.constant 0 : index
    %get3A_38 = vector.load %arg5[%get3A_36, %get3A_37] : memref<128x128xf32, #tpu.memory_space<vmem>>, vector<128x128xf32>
    %dot_general3A_39 = arith.constant dense<0.000000e+00> : vector<368x128xf32>
    %dot_general3A_40 = tpu.matmul %get3A_4, %get3A_38, %dot_general3A_39 {dimension_numbers = #tpu.dot_dimension_numbers<[1], [0], [0], [1], [0, 0, 1, 1], [], []>, transpose_lhs_hint = false} : vector<368x128xf32>, vector<128x128xf32>, vector<368x128xf32> -> vector<368x128xf32>
    %swap3A_41 = arith.constant 0 : index
    %swap3A_42 = arith.constant 0 : index
    %swap3A_43 = vector.load %arg13[%swap3A_41, %swap3A_42] : memref<368x128xf32, #tpu.memory_space<vmem>>, vector<368x128xf32>
    tpu.vector_store %arg13[%swap3A_41, %swap3A_42], %dot_general3A_40 {strides = array<i32>} : memref<368x128xf32, #tpu.memory_space<vmem>>, vector<368x128xf32>,
    %get3A_44 = arith.constant 0 : index
    %get3A_45 = arith.constant 0 : index
    %get3A_46 = vector.load %arg6[%get3A_44, %get3A_45] : memref<128x128xf32, #tpu.memory_space<vmem>>, vector<128x128xf32>
    %dot_general3A_47 = arith.constant dense<0.000000e+00> : vector<368x128xf32>
    %dot_general3A_48 = tpu.matmul %get3A_4, %get3A_46, %dot_general3A_47 {dimension_numbers = #tpu.dot_dimension_numbers<[1], [0], [0], [1], [0, 0, 1, 1], [], []>, transpose_lhs_hint = false} : vector<368x128xf32>, vector<128x128xf32>, vector<368x128xf32> -> vector<368x128xf32>
    %get3A_49 = arith.constant 0 : index
    %get3A_50 = arith.constant 0 : index
    %get3A_51 = vector.load %arg9[%get3A_49, %get3A_50] : memref<1x128xf32, #tpu.memory_space<vmem>>, vector<1x128xf32>
    %add3A_52 = vector.broadcast %get3A_51 : vector<1x128xf32> to vector<368x128xf32>
    %add3A_53 = arith.addf %dot_general3A_48, %add3A_52 : vector<368x128xf32>
    %swap3A_54 = arith.constant 0 : index
    %swap3A_55 = arith.constant 0 : index
    %swap3A_56 = vector.load %arg14[%swap3A_54, %swap3A_55] : memref<368x128xf32, #tpu.memory_space<vmem>>, vector<368x128xf32>
    tpu.vector_store %arg14[%swap3A_54, %swap3A_55], %add3A_53 {strides = array<i32>} : memref<368x128xf32, #tpu.memory_space<vmem>>, vector<368x128xf32>,
    return
  }
}

module attributes {stable_mosaic.version = 14 : i64} {
  func.func @_ent_body(%arg0: i32, %arg1: memref<2000x128xf32, #tpu.memory_space<vmem>>, %arg2: memref<128x128xf32, #tpu.memory_space<vmem>>, %arg3: memref<128x128xf32, #tpu.memory_space<vmem>>, %arg4: memref<128x128xf32, #tpu.memory_space<vmem>>, %arg5: memref<1x128xf32, #tpu.memory_space<vmem>>, %arg6: memref<2000x128xf32, #tpu.memory_space<vmem>>, %arg7: memref<2000x128xf32, #tpu.memory_space<vmem>>, %arg8: memref<2000x128xf32, #tpu.memory_space<vmem>>) attributes {dimension_semantics = [#tpu.dimension_semantics<arbitrary>], iteration_bounds = array<i64: 5>, scalar_prefetch = 0 : i64, scratch_operands = 0 : i64, tpu.core_type = #tpu.core_type<tc>, window_params = [{transform_indices = @transform_0, window_bounds = array<i64: 2000, 128>}, {pipeline_mode = #tpu.pipeline_mode<synchronous>, transform_indices = @transform_1, window_bounds = array<i64: 128, 128>}, {pipeline_mode = #tpu.pipeline_mode<synchronous>, transform_indices = @transform_2, window_bounds = array<i64: 128, 128>}, {pipeline_mode = #tpu.pipeline_mode<synchronous>, transform_indices = @transform_3, window_bounds = array<i64: 128, 128>}, {pipeline_mode = #tpu.pipeline_mode<synchronous>, transform_indices = @transform_4, window_bounds = array<i64: 1, 128>}, {transform_indices = @transform_5, window_bounds = array<i64: 2000, 128>}, {transform_indices = @transform_6, window_bounds = array<i64: 2000, 128>}, {transform_indices = @transform_7, window_bounds = array<i64: 2000, 128>}]} {
    %get3A = arith.constant 0 : index
    %get3A_0 = arith.constant 0 : index
    %get3A_1 = vector.load %arg1[%get3A, %get3A_0] : memref<2000x128xf32, #tpu.memory_space<vmem>>, vector<2000x128xf32>
    %get3A_2 = arith.constant 0 : index
    %get3A_3 = arith.constant 0 : index
    %get3A_4 = vector.load %arg2[%get3A_2, %get3A_3] : memref<128x128xf32, #tpu.memory_space<vmem>>, vector<128x128xf32>
    %dot_general3A = arith.constant dense<0.000000e+00> : vector<2000x128xf32>
    %dot_general3A_5 = tpu.matmul %get3A_1, %get3A_4, %dot_general3A {dimension_numbers = #tpu.dot_dimension_numbers<[1], [0], [0], [1], [0, 0, 1, 1], [], []>, transpose_lhs_hint = false} : vector<2000x128xf32>, vector<128x128xf32>, vector<2000x128xf32> -> vector<2000x128xf32>
    %swap3A = arith.constant 0 : index
    %swap3A_6 = arith.constant 0 : index
    %swap3A_7 = vector.load %arg6[%swap3A, %swap3A_6] : memref<2000x128xf32, #tpu.memory_space<vmem>>, vector<2000x128xf32>
    tpu.vector_store %arg6[%swap3A, %swap3A_6], %dot_general3A_5 {strides = array<i32>} : memref<2000x128xf32, #tpu.memory_space<vmem>>, vector<2000x128xf32>,
    %get3A_8 = arith.constant 0 : index
    %get3A_9 = arith.constant 0 : index
    %get3A_10 = vector.load %arg3[%get3A_8, %get3A_9] : memref<128x128xf32, #tpu.memory_space<vmem>>, vector<128x128xf32>
    %dot_general3A_11 = arith.constant dense<0.000000e+00> : vector<2000x128xf32>
    %dot_general3A_12 = tpu.matmul %get3A_1, %get3A_10, %dot_general3A_11 {dimension_numbers = #tpu.dot_dimension_numbers<[1], [0], [0], [1], [0, 0, 1, 1], [], []>, transpose_lhs_hint = false} : vector<2000x128xf32>, vector<128x128xf32>, vector<2000x128xf32> -> vector<2000x128xf32>
    %swap3A_13 = arith.constant 0 : index
    %swap3A_14 = arith.constant 0 : index
    %swap3A_15 = vector.load %arg7[%swap3A_13, %swap3A_14] : memref<2000x128xf32, #tpu.memory_space<vmem>>, vector<2000x128xf32>
    tpu.vector_store %arg7[%swap3A_13, %swap3A_14], %dot_general3A_12 {strides = array<i32>} : memref<2000x128xf32, #tpu.memory_space<vmem>>, vector<2000x128xf32>,
    %get3A_16 = arith.constant 0 : index
    %get3A_17 = arith.constant 0 : index
    %get3A_18 = vector.load %arg4[%get3A_16, %get3A_17] : memref<128x128xf32, #tpu.memory_space<vmem>>, vector<128x128xf32>
    %dot_general3A_19 = arith.constant dense<0.000000e+00> : vector<2000x128xf32>
    %dot_general3A_20 = tpu.matmul %get3A_1, %get3A_18, %dot_general3A_19 {dimension_numbers = #tpu.dot_dimension_numbers<[1], [0], [0], [1], [0, 0, 1, 1], [], []>, transpose_lhs_hint = false} : vector<2000x128xf32>, vector<128x128xf32>, vector<2000x128xf32> -> vector<2000x128xf32>
    %get3A_21 = arith.constant 0 : index
    %get3A_22 = arith.constant 0 : index
    %get3A_23 = vector.load %arg5[%get3A_21, %get3A_22] : memref<1x128xf32, #tpu.memory_space<vmem>>, vector<1x128xf32>
    %add3A = vector.broadcast %get3A_23 : vector<1x128xf32> to vector<2000x128xf32>
    %add3A_24 = arith.addf %dot_general3A_20, %add3A : vector<2000x128xf32>
    %swap3A_25 = arith.constant 0 : index
    %swap3A_26 = arith.constant 0 : index
    %swap3A_27 = vector.load %arg8[%swap3A_25, %swap3A_26] : memref<2000x128xf32, #tpu.memory_space<vmem>>, vector<2000x128xf32>
    tpu.vector_store %arg8[%swap3A_25, %swap3A_26], %add3A_24 {strides = array<i32>} : memref<2000x128xf32, #tpu.memory_space<vmem>>, vector<2000x128xf32>,
    return
  }
  func.func @transform_0(%arg0: i32) -> (i32, i32) {
    %c0_i32 = arith.constant 0 : i32
    %c0_i32_0 = arith.constant 0 : i32
    return %arg0, %c0_i32 : i32, i32
  }
  func.func @transform_1(%arg0: i32) -> (i32, i32) {
    %c0_i32 = arith.constant 0 : i32
    %c0_i32_0 = arith.constant 0 : i32
    %c0_i32_1 = arith.constant 0 : i32
    return %c0_i32, %c0_i32_0 : i32, i32
  }
  func.func @transform_2(%arg0: i32) -> (i32, i32) {
    %c0_i32 = arith.constant 0 : i32
    %c0_i32_0 = arith.constant 0 : i32
    %c0_i32_1 = arith.constant 0 : i32
    return %c0_i32, %c0_i32_0 : i32, i32
  }
  func.func @transform_3(%arg0: i32) -> (i32, i32) {
    %c0_i32 = arith.constant 0 : i32
    %c0_i32_0 = arith.constant 0 : i32
    %c0_i32_1 = arith.constant 0 : i32
    return %c0_i32, %c0_i32_0 : i32, i32
  }
  func.func @transform_4(%arg0: i32) -> (i32, i32) {
    %c0_i32 = arith.constant 0 : i32
    %c0_i32_0 = arith.constant 0 : i32
    %c0_i32_1 = arith.constant 0 : i32
    return %c0_i32, %c0_i32_0 : i32, i32
  }
  func.func @transform_5(%arg0: i32) -> (i32, i32) {
    %c0_i32 = arith.constant 0 : i32
    %c0_i32_0 = arith.constant 0 : i32
    return %arg0, %c0_i32 : i32, i32
  }
  func.func @transform_6(%arg0: i32) -> (i32, i32) {
    %c0_i32 = arith.constant 0 : i32
    %c0_i32_0 = arith.constant 0 : i32
    return %arg0, %c0_i32 : i32, i32
  }
  func.func @transform_7(%arg0: i32) -> (i32, i32) {
    %c0_i32 = arith.constant 0 : i32
    %c0_i32_0 = arith.constant 0 : i32
    return %arg0, %c0_i32 : i32, i32
  }
}

module attributes {stable_mosaic.version = 14 : i64} {
  func.func @_combine_body(%arg0: i32, %arg1: memref<2000x128xf32, #tpu.memory_space<vmem>>, %arg2: memref<2000x128xf32, #tpu.memory_space<vmem>>, %arg3: memref<2000x128xf32, #tpu.memory_space<vmem>>, %arg4: memref<2000x128xf32, #tpu.memory_space<vmem>>, %arg5: memref<2000x128xf32, #tpu.memory_space<vmem>>, %arg6: memref<2000x128xf32, #tpu.memory_space<vmem>>) attributes {dimension_semantics = [#tpu.dimension_semantics<arbitrary>], iteration_bounds = array<i64: 5>, scalar_prefetch = 0 : i64, scratch_operands = 0 : i64, tpu.core_type = #tpu.core_type<tc>, window_params = [{transform_indices = @transform_0, window_bounds = array<i64: 2000, 128>}, {transform_indices = @transform_1, window_bounds = array<i64: 2000, 128>}, {transform_indices = @transform_2, window_bounds = array<i64: 2000, 128>}, {transform_indices = @transform_3, window_bounds = array<i64: 2000, 128>}, {transform_indices = @transform_4, window_bounds = array<i64: 2000, 128>}, {transform_indices = @transform_5, window_bounds = array<i64: 2000, 128>}]} {
    %get3A = arith.constant 0 : index
    %get3A_0 = arith.constant 0 : index
    %get3A_1 = vector.load %arg3[%get3A, %get3A_0] : memref<2000x128xf32, #tpu.memory_space<vmem>>, vector<2000x128xf32>
    %get3A_2 = arith.constant 0 : index
    %get3A_3 = arith.constant 0 : index
    %get3A_4 = vector.load %arg4[%get3A_2, %get3A_3] : memref<2000x128xf32, #tpu.memory_space<vmem>>, vector<2000x128xf32>
    %add3A = arith.addf %get3A_1, %get3A_4 : vector<2000x128xf32>
    %max3A = arith.constant 1.000000e+00 : f32
    %max3A_5 = vector.broadcast %max3A : f32 to vector<2000x128xf32>
    %max3A_6 = arith.maximumf %add3A, %max3A_5 : vector<2000x128xf32>
    %get3A_7 = arith.constant 0 : index
    %get3A_8 = arith.constant 0 : index
    %get3A_9 = vector.load %arg5[%get3A_7, %get3A_8] : memref<2000x128xf32, #tpu.memory_space<vmem>>, vector<2000x128xf32>
    %get3A_10 = arith.constant 0 : index
    %get3A_11 = arith.constant 0 : index
    %get3A_12 = vector.load %arg1[%get3A_10, %get3A_11] : memref<2000x128xf32, #tpu.memory_space<vmem>>, vector<2000x128xf32>
    %get3A_13 = arith.constant 0 : index
    %get3A_14 = arith.constant 0 : index
    %get3A_15 = vector.load %arg2[%get3A_13, %get3A_14] : memref<2000x128xf32, #tpu.memory_space<vmem>>, vector<2000x128xf32>
    %add3A_16 = arith.addf %get3A_12, %get3A_15 : vector<2000x128xf32>
    %div3A = arith.divf %add3A_16, %max3A_6 : vector<2000x128xf32>
    %add3A_17 = arith.addf %get3A_9, %div3A : vector<2000x128xf32>
    %swap3A = arith.constant 0 : index
    %swap3A_18 = arith.constant 0 : index
    %swap3A_19 = vector.load %arg6[%swap3A, %swap3A_18] : memref<2000x128xf32, #tpu.memory_space<vmem>>, vector<2000x128xf32>
    tpu.vector_store %arg6[%swap3A, %swap3A_18], %add3A_17 {strides = array<i32>} : memref<2000x128xf32, #tpu.memory_space<vmem>>, vector<2000x128xf32>,
    return
  }
  func.func @transform_0(%arg0: i32) -> (i32, i32) {
    %c0_i32 = arith.constant 0 : i32
    %c0_i32_0 = arith.constant 0 : i32
    return %arg0, %c0_i32 : i32, i32
  }
  func.func @transform_1(%arg0: i32) -> (i32, i32) {
    %c0_i32 = arith.constant 0 : i32
    %c0_i32_0 = arith.constant 0 : i32
    return %arg0, %c0_i32 : i32, i32
  }
  func.func @transform_2(%arg0: i32) -> (i32, i32) {
    %c0_i32 = arith.constant 0 : i32
    %c0_i32_0 = arith.constant 0 : i32
    return %arg0, %c0_i32 : i32, i32
  }
  func.func @transform_3(%arg0: i32) -> (i32, i32) {
    %c0_i32 = arith.constant 0 : i32
    %c0_i32_0 = arith.constant 0 : i32
    return %arg0, %c0_i32 : i32, i32
  }
  func.func @transform_4(%arg0: i32) -> (i32, i32) {
    %c0_i32 = arith.constant 0 : i32
    %c0_i32_0 = arith.constant 0 : i32
    return %arg0, %c0_i32 : i32, i32
  }
  func.func @transform_5(%arg0: i32) -> (i32, i32) {
    %c0_i32 = arith.constant 0 : i32
    %c0_i32_0 = arith.constant 0 : i32
    return %arg0, %c0_i32 : i32, i32
  }
}

</mosaic_0001>

<sc_bundles>
// kernel: kernel.6.cloned.1.call-start
scs
__scs_entry_jumppad:
0x0: {  	(pc) =	sbr.rel $0x88, $3  }
0x1: {  	(tag) =	ssettag $0x0;
	lr =	simm.s32 $0x1  }
0x2: {  	[smem:$0x3F92] =	sst lr;
	_ =	strace $0xD0000000  }
0x3: {  	_ = 	snop  }
0x4: {  	_ = 	snop  }
0x5: {  	_ = 	snop  }
0x6: {  	_ = 	snop  }
0x7: {  	_ = 	snop  }
__scs_overlays_trampoline_lowered:
0x8: {  	[smem:$0x3FA1] =	sst s0  }
0x9: {  	[smem:$0x3FA2] =	sst s1  }
0xa: {  	[smem:$0x3FA3] =	sst s2  }
0xb: {  	[smem:$0x3FA4] =	sst s3  }
0xc: {  	[smem:$0x3FA5] =	sst s4  }
0xd: {  	[smem:$0x3FA6] =	sst s5  }
0xe: {  	[smem:$0x3FA7] =	sst s6  }
0xf: {  	[smem:$0x3FA8] =	sst s7  }
0x10: {  	[smem:$0x3FA9] =	sst s8  }
0x11: {  	[smem:$0x3FAA] =	sst s9;
	s0 =	simm.s32 @!p0 $0x0  }
0x12: {  	s1 =	sld [smem:$0x3F90];
	s0 =	simm.s32 @p0 $0x1  }
0x13: {  	[smem:$0x3FAB] =	sst s0;
	s0 =	simm.s32 @!p1 $0x0  }
0x14: {  	s2 =	sld [smem:$0x3F8F];
	s0 =	simm.s32 @p1 $0x1  }
0x15: {  	[smem:$0x3FAC] =	sst s0;
	s0 =	simm.s32 @!p2 $0x0  }
0x16: {  	s3 =	sld [smem:$0x3FDB];
	s0 =	simm.s32 @p2 $0x1  }
0x17: {  	s4 =	simm.s32 $0x1BF5;
	[smem:$0x3FAE] =	sst s0  }
0x18: {  	s0 =	sld [smem:$0x3F91];
	_ =	swait.ge [sflag:s4], $0x0  }
0x19: {  	s7 =	sld [smem:$0x3F92]  }
0x1a: {  	s8 =	sadd.s32 $0xFFFFE003, lr  }
0x1b: {  	s9 =	sadd.s32 $0xFFFFFEF7, lr;
	s5 =	simm.s32 $0xFFFFFFFF;
	p2 =	slt.u32 s8, $0xFFFFF086  }
0x1c: {  	p1 =	slt.u32 s9, $0xF7A;
	s5 =	simm.s32 @!p2 $0x0  }
0x1d: {  	s5 =	simm.s32 @p1 $0x1;
	p0 =	seq.s32 s7, s2  }
0x1e: {  	s7 =	smul.u32 @!p0 $0xF7A, s2;
	p2 =	seq.s32 @!p0 s5, $0x0  }
0x1f: {  	s9 =	smul.u32 $0xF7A, s1;
	s8 =	simm.s32 @!p0 $0x1BF5;
	p2 =	por !p2, p0  }
0x20: {  	[sflag:s8] =	ssyncset.s32 @!p0 $0xFFFFF086;
	s6 =	sadd.s32 @!p0 s3, s7;
	s7 =	simm.s32 @!p0 $0x108  }
0x21: {  	s3 =	sadd.s32 s3, s9;
	s6 =	sadd.s32 @!p0 $0x88, s6;
	s7 =	simm.s32 @p2 $0x1082  }
0x22: {  	[simem:s7], [sflag:s8] =	dma.local @!p0 [hbm:s6], $0xF7A  }
0x23: {  	s9 =	sor.u32 $0xD0000000, s2;
	s6 =	simm.s32 $0x108;
	_ =	swait.ge @!p0 [sflag:s8], $0x0  }
0x24: {  	s3 =	sadd.s32 $0x88, s3;
	s6 =	simm.s32 @!p1 $0x1082;
	[sflag:s4] =	ssyncset.s32 $0xFFFFF086  }
0x25: {  	[simem:s6], [sflag:s4] =	dma.local [hbm:s3], $0xF7A  }
0x26: {  	[smem:$0x3F92] =	sst s1;
	(tag) =	ssettag s2;
	_ =	strace s9  }
0x27: {  	s1 =	sld [smem:$0x3FA2]  }
0x28: {  	s2 =	sld [smem:$0x3FA3]  }
0x29: {  	s4 =	sld [smem:$0x3FA5]  }
0x2a: {  	p0 =	seq.s32 s5, $0x0;
	s5 =	sld [smem:$0x3FA6]  }
0x2b: {  	s6 =	sld [smem:$0x3FA7]  }
0x2c: {  	s7 =	sld [smem:$0x3FA8]  }
0x2d: {  	s3 =	simm.s32 $0x108;
	s8 =	sld [smem:$0x3FA9]  }
0x2e: {  	s3 =	simm.s32 @!p0 $0x1082;
	s9 =	sld [smem:$0x3FAA]  }
0x2f: {  	lr =	sadd.s32 s0, s3;
	s0 =	sld [smem:$0x3FA1]  }
0x30: {  	s3 =	sld [smem:$0x3FA4]  }
0x31: {  	[smem:$0x3FAD] =	sst s10  }
0x32: {  	s10 =	sld [smem:$0x3FAB];
	_ =	sdelay $0x3  }
0x33: {  	p0 =	seq.s32 s10, $0x1;
	s10 =	sld [smem:$0x3FAD];
	_ =	sdelay $0x3  }
0x34: {  	[smem:$0x3FAD] =	sst s10  }
0x35: {  	s10 =	sld [smem:$0x3FAC];
	_ =	sdelay $0x3  }
0x36: {  	p1 =	seq.s32 s10, $0x1;
	s10 =	sld [smem:$0x3FAD];
	_ =	sdelay $0x3  }
0x37: {  	[smem:$0x3FAD] =	sst s10  }
0x38: {  	s10 =	sld [smem:$0x3FAE]  }
0x39: {  	_ = 	snop;
	(pc) =	sbr.ind lr, $3  }
0x3a: {  	_ = 	snop  }
0x3b: {  	_ = 	snop  }
0x3c: {  	p2 =	seq.s32 s10, $0x1;
	s10 =	sld [smem:$0x3FAD]  }
0x3d: {  	_ =	shalt  }
0x3e: {  	_ =	shalt  }
0x3f: {  	_ =	shalt  }
0x40: {  	_ =	shalt  }
0x41: {  	_ =	shalt  }
0x42: {  	_ =	shalt  }
0x43: {  	_ =	shalt  }
0x44: {  	_ =	shalt  }
0x45: {  	_ =	shalt  }
0x46: {  	_ =	shalt  }
0x47: {  	_ =	shalt  }
0x48: {  	_ =	shalt  }
0x49: {  	_ =	shalt  }
0x4a: {  	_ =	shalt  }
0x4b: {  	_ =	shalt  }
0x4c: {  	_ =	shalt  }
0x4d: {  	_ =	shalt  }
0x4e: {  	_ =	shalt  }
0x4f: {  	_ =	shalt  }
0x50: {  	_ =	shalt  }
0x51: {  	_ =	shalt  }
0x52: {  	_ =	shalt  }
0x53: {  	_ =	shalt  }
0x54: {  	_ =	shalt  }
0x55: {  	_ =	shalt  }
0x56: {  	_ =	shalt  }
0x57: {  	_ =	shalt  }
0x58: {  	_ =	shalt  }
0x59: {  	_ =	shalt  }
0x5a: {  	_ =	shalt  }
0x5b: {  	_ =	shalt  }
0x5c: {  	_ =	shalt  }
0x5d: {  	_ =	shalt  }
0x5e: {  	_ =	shalt  }
0x5f: {  	_ =	shalt  }
0x60: {  	_ =	shalt  }
0x61: {  	_ =	shalt  }
0x62: {  	_ =	shalt  }
0x63: {  	_ =	shalt  }
0x64: {  	_ =	shalt  }
0x65: {  	_ =	shalt  }
0x66: {  	_ =	shalt  }
0x67: {  	_ =	shalt  }
0x68: {  	_ =	shalt  }
0x69: {  	_ =	shalt  }
0x6a: {  	_ =	shalt  }
0x6b: {  	_ =	shalt  }
0x6c: {  	_ =	shalt  }
0x6d: {  	_ =	shalt  }
0x6e: {  	_ =	shalt  }
0x6f: {  	_ =	shalt  }
0x70: {  	_ =	shalt  }
0x71: {  	_ =	shalt  }
0x72: {  	_ =	shalt  }
0x73: {  	_ =	shalt  }
0x74: {  	_ =	shalt  }
0x75: {  	_ =	shalt  }
0x76: {  	_ =	shalt  }
0x77: {  	_ =	shalt  }
0x78: {  	_ =	shalt  }
0x79: {  	_ =	shalt  }
0x7a: {  	_ =	shalt  }
0x7b: {  	_ =	shalt  }
0x7c: {  	_ =	shalt  }
0x7d: {  	_ =	shalt  }
0x7e: {  	_ =	shalt  }
0x7f: {  	_ =	shalt  }
0x80: {  	_ =	shalt  }
0x81: {  	_ =	shalt  }
0x82: {  	_ =	shalt  }
0x83: {  	_ =	shalt  }
0x84: {  	_ =	shalt  }
0x85: {  	_ =	shalt  }
0x86: {  	_ =	shalt  }
0x87: {  	_ =	shalt  }
.Lfunc_end0:
.L_simem_size_0:
called_computation_lowered:
.L_overlay_start_0:
0x88: {  	s2 =	sld [smem:$0x3FD9]  }
0x89: {  	s3 =	sld [smem:$0x3FFE];
	_ =	sdelay $0x1  }
0x8a: {  	s1 =	srdreg.scid  }
0x8b: {  	s0 =	sand.u32 $0x1, s1  }
0x8c: {  	s14 =	sshll.u32 s0, $0xA;
	s2 =	sadd.s32 s3, s2  }
0x8d: {  	s2 =	sadd.s32 s2, s14  }
0x8e: {  	[smem:$0x3FB9] =	sst s2  }
0x8f: {  	_ = 	snop  }
0x90: {  	s2 =	sld [smem:$0x3FD0];
	_ =	sdelay $0x2  }
0x91: {  	s15 =	simm.s32 $0xA;
	s4 =	simm.s32 $0x10  }
0x92: {  	[smem:s4], [sflag:s15] =	dma.local [hbm:s2], $0x1  }
0x93: {  	_ =	swait.eq [sflag:s15], $0x1  }
0x94: {  	[sflag:s15] =	ssyncset.done $0x0  }
0x95: {  	[sflag:s15] =	ssyncadd.s32 $0xFFFFFFFF  }
0x96: {  	s16 =	sld [smem:$0x10];
	(tm) =	ssettm $0x1  }
0x97: {  	s17 =	sld [smem:$0x3FFB];
	_ =	sdelay $0x3  }
0x98: {  	_ =	strace s17  }
0x99: {  	s3 =	sld [smem:$0x3FFC];
	_ =	sdelay $0x3  }
0x9a: {  	_ =	strace s3  }
0x9b: {  	s3 =	sld [smem:$0x3FFD];
	_ =	sdelay $0x3  }
0x9c: {  	_ =	strace s3  }
0x9d: {  	_ =	strace $0x8FFFFFFF  }
0x9e: {  	s18 =	sld [smem:$0x3FDB];
	_ =	sdelay $0x1  }
0x9f: {  	s19 =	simm.s32 $_scs_section_size  }
0xa0: {  	s5 =	simm.s32 $_size__tile_overlayer_lowered;
	s6 =	simm.s32 $_tile_overlayer_lowered  }
0xa1: {  	s22 =	simm.s32 $0x1BFF;
	s21 =	sshll.u32 s6, $0x1;
	s3 =	sadd.s32 s19, s18  }
0xa2: {  	s7 =	simm.s32 $0x0;
	s20 =	sshll.u32 s5, $0x1;
	s5 =	sadd.s32 s21, s3  }
0xa3: {  	[timem:s7], [sflag:s22] =	dma.local [hbm:s5], s20  }
0xa4: {  	_ =	swait.ge [sflag:s22], s20  }
0xa5: {  	s4 =	ssub.s32 $0x0, s20;
	[sflag:s22] =	ssyncset.done $0x0  }
0xa6: {  	[sflag:s22] =	ssyncadd.s32 s4;
	_ =	sdelay $0x1  }
0xa7: {  	s23 =	simm.s32 $0x1B8B  }
0xa8: {  	_ =	swait.ge [sflag:s23], $0x1  }
0xa9: {  	[sflag:s23] =	ssyncset.done $0x0  }
0xaa: {  	s25 =	simm.s32 $0x1B8E;
	s24 =	sld [smem:$0x3FFE];
	[sflag:s23] =	ssyncadd.s32 $0xFFFFFFFF  }
0xab: {  	s26 =	simm.s32 $execute0_lowered;
	[smem:$0x3FD2] =	sst s25  }
0xac: {  	s5 =	sshll.u32 s26, $0x1;
	_ =	strace $0x80000046;
	[dreg:$0x1] =	wrdreg $0xFFFFFFFF  }
0xad: {  	s28 =	simm.s32 $_size_execute0_lowered;
	s3 =	sadd.s32 s3, s5;
	[dreg:$0x0] =	wrdreg $0x0  }
0xae: {  	s5 =	sshll.u32 s28, $0x1;
	[dreg:$0x2] =	wrdreg s3  }
0xaf: {  	[dreg:$0x3] =	wrdreg s5  }
0xb0: {  	[dreg:$0x4] =	wrdreg $0xC0  }
0xb1: {  	_ =	task [dreg:s7], $0x5FFFF  }
0xb2: {  	[dreg:$0x1] =	wrdreg $0xFFFFFFFF  }
0xb3: {  	[dreg:$0x0] =	wrdreg $0x60  }
0xb4: {  	[dreg:$0x2] =	wrdreg s24  }
0xb5: {  	[dreg:$0x3] =	wrdreg s16  }
0xb6: {  	[dreg:$0x4] =	wrdreg $0x0  }
0xb7: {  	[dreg:$0x5] =	wrdreg $0x9  }
0xb8: {  	_ =	task.clear_ibuf [dreg:s7], $0x6FFFF;
	_ =	strace $0x90000046  }
0xb9: {  	s29 =	simm.s32 $0x9;
	_ =	strace $0x80000048  }
0xba: {  	_ =	swait.ge [sflag:s29], $0x1  }
0xbb: {  	[sflag:s29] =	ssyncadd.s32 $0xFFFFFFFF  }
0xbc: {  	_ =	strace $0x90000048  }
0xbd: {  	_ =	sfence  }
0xbe: {  	s30 =	sld [smem:$0x0];
	_ =	sdelay $0x2  }
0xbf: {  	s31 =	sshll.u32 s1, $0xD;
	s1 =	sshrl.u32 s1, $0x2  }
0xc0: {  	s3 =	sand.u32 $0x4000, s31;
	s1 =	sadd.s32 s1, s30  }
0xc1: {  	s0 =	sor.u32 s3, s0;
	s1 =	sshll.u32 s1, $0x11  }
0xc2: {  	s0 =	sor.u32 s1, s0  }
0xc3: {  	s0 =	sadd.s32 $0x8F2B, s0  }
0xc4: {  	[sflag:s0] =	ssyncadd.remote.s32 $0x1  }
0xc5: {  	_ =	sfence.sel $0xFFFF  }
0xc6: {  	[dreg:$0x0] =	wrdreg $0xFFFFFFFF;
	(pc) =	sbr.abs _section_cstart, $3  }
0xc7: {  	[dreg:$0x1] =	wrdreg $0xFFFFFFFF  }
0xc8: {  	_ =	task.clear_ibuf [dreg:s7], $0x2FFFF;
	_ =	strace $0x9FFFFFFF  }
0xc9: {  	(tm) =	ssettm $0x7FFFFFFF  }
tec
execute0_lowered:
.L_overlay_start_1:
0x0: {  	(tag) =	ssettag $0x1  }
0x1: {  	s0 =	rddreg [dreg:$0x0]  }
0x2: {  	s1 =	rddreg [dreg:$0x1]  }
0x3: {  	s2 =	rddreg [dreg:$0x2];
	s3 =	simm.s32 $0x0  }
0x4: {  	s16 =	stileid.u32;
	s4 =	srdreg.scid;
	s19 =	simm.s32 $0x14000  }
0x5: {  	s20 =	simm.s32 $0x4;
	s28 =	simm.s32 $0x18180;
	s29 =	simm.s32 $0x15000  }
0x6: {  	s30 =	simm.s32 $0x16000;
	s31 =	simm.s32 $0x1;
	[smem:$0x7FF] =	sst s3  }
0x7: {  	s5 =	sadd.s32 $0x38A00, s0;
	s6 =	sadd.s32 $0x2E00, s0;
	s7 =	sadd.s32 $0x4C00, s0  }
0x8: {  	s8 =	sadd.s32 $0x90A00, s0;
	s11 =	smul.u32 $0x50, s16;
	s4 =	sand.u32 $0x1, s4  }
0x9: {  	s9 =	sadd.s32 $0x86C00, s0;
	s13 =	sadd.s32 $0x9B000, s0;
	s21 =	sadd.s32 $0x9AE00, s0  }
0xa: {  	s15 =	smul.u32 $0x2720, s16;
	_ =	strace $0x80000047;
	[dreg:$0x4] =	wrdreg s13  }
0xb: {  	s10 =	sadd.s32 $0x7A00, s0;
	s12 =	smul.u32 $0x28000, s4;
	[dreg:$0x5] =	wrdreg s21  }
0xc: {  	s22 =	ssub.s32 $0x2, s4;
	s14 =	smul.u32 $0x27200, s4;
	s4 =	sshll.u32 s4, $0x4  }
0xd: {  	s21 =	simm.s32 $0x17000;
	s11 =	sadd.s32 s11, s0;
	s23 =	sshrl.u32 s22, $0x1  }
0xe: {  	s4 =	sor.u32 s16, s4;
	s16 =	smul.u32 $0x2800, s16;
	s0 =	sadd.s32 s12, s0  }
0xf: {  	s12 =	ssub.s32 s22, s23;
	s13 =	smul.u32 $0x2720, s4;
	s25 =	sadd.s32 s15, s14  }
0x10: {  	s15 =	sadd.s32 $0x9A800, s11;
	s22 =	simm.s32 $0x18200;
	s23 =	simm.s32 $0x20  }
0x11: {  	s24 =	smax.u32 s12, $0x1;
	s0 =	sadd.s32 s16, s0;
	s4 =	sshrl.u32 s25, $0x3  }
0x12: {  	s25 =	simm.s32 $0x18080;
	s12 =	simm.s32 $0x0;
	[dreg:$0x6] =	wrdreg s24  }
0x13: {  	s26 =	sadd.s32 $0x9B200, s0;
	s17 =	sadd.s32 s4, s10;
	s0 =	sadd.s32 $0xEB200, s0  }
0x14: {  	s24 =	simm.s32 $0x18000;
	s4 =	simm.s32 $0x3;
	[dreg:$0x7] =	wrdreg s26  }
0x15: {  	[dreg:$0x8] =	wrdreg s0;
	s26 =	simm.s32 $0x18100;
	s0 =	simm.s32 $0x2  }
.LBB2_1:
0x16: {  	[dreg:$0x9] =	wrdreg s12  }
0x17: {  	s11 =	rddreg [dreg:$0x4]  }
0x18: {  	[tilespmem:s19], [sflag:$0x4] =	stream.linear.gather [hbm4b:s11+s3], $0x1000, $0x38;
	[tilespmem:$0x18280] =	vst v63  }
0x19: {  	_ =	swait.ge [sflag:s20], $0x1000  }
0x1a: {  	[sflag:s20] =	ssyncset.done $0x0  }
0x1b: {  	s16 =	rddreg [dreg:$0x5];
	[sflag:s20] =	ssyncadd.s32 $0xFFFFF000  }
0x1c: {  	[tilespmem:s21], [sflag:$0x4] =	stream.linear.gather [hbm4b:s16+s3], $0x1000, $0x38;
	[tilespmem:$0x18280] =	vst v63  }
0x1d: {  	_ =	swait.ge [sflag:s20], $0x1000  }
0x1e: {  	[sflag:s20] =	ssyncset.done $0x0  }
0x1f: {  	s18 =	sadd.s32 $0x0, s15;
	[sflag:s20] =	ssyncadd.s32 $0xFFFFF000  }
0x20: {  	[tilespmem:s22], [sflag:$0x4] =	stream.linear.gather [hbm4b:s18+s3], $0x20, $0x38;
	[tilespmem:$0x18280] =	vst v63  }
0x21: {  	_ =	swait.ge [sflag:s20], $0x20  }
0x22: {  	[sflag:s20] =	ssyncset.done $0x0  }
0x23: {  	[sflag:s20] =	ssyncadd.s32 $0xFFFFFFE0  }
0x24: {  	[spmem:s2] =	stream.indirect.scatter [tilespmem:s19], [sflag:$0x4], $0x80, s22, s23, $0xb8;
	[tilespmem:$0x18280] =	vst v63  }
0x25: {  	_ =	swait.ge [sflag:s20], $0x1000  }
0x26: {  	s14 =	simm.s32 $0x8;
	s11 =	simm.s32 $0x4;
	[sflag:s20] =	ssyncset.done $0x0  }
.LBB2_2:
0x27: {  	s16 =	sadd.s32 s11, s15  }
0x28: {  	[sflag:s20] =	ssyncadd.s32 $0xFFFFF000;
	s11 =	smov.u32 s14;
	s18 =	sadd.s32 $0x4, s14  }
0x29: {  	[tilespmem:s22], [sflag:$0x4] =	stream.linear.gather [hbm4b:s16+s3], $0x20, $0x38;
	[tilespmem:$0x18280] =	vst v63  }
0x2a: {  	p0 =	sne.s32 s14, $0x4C;
	_ =	swait.ge [sflag:s20], $0x20  }
.Ltmp0:
0x2b: {  	[sflag:s20] =	ssyncset.done $0x0;
	(pc) =	sbr.rel @p0 .LBB2_2-.Ltmp0, $4  }
0x2c: {  	[sflag:s20] =	ssyncadd.s32 $0xFFFFFFE0  }
0x2d: {  	[spmem:s2] =	stream.indirect.scatter [tilespmem:s19], [sflag:$0x4], $0x80, s22, s23, $0xb8;
	[tilespmem:$0x18280] =	vst v63  }
0x2e: {  	_ =	swait.ge [sflag:s20], $0x1000  }
0x2f: {  	s14 =	smov.u32 s18;
	[sflag:s20] =	ssyncset.done $0x0  }
0x30: {  	s11 =	sadd.s32 s11, s15;
	[sflag:s20] =	ssyncadd.s32 $0xFFFFF000  }
0x31: {  	[tilespmem:s22], [sflag:$0x4] =	stream.linear.gather [hbm4b:s11+s3], $0x20, $0x38;
	[tilespmem:$0x18280] =	vst v63  }
0x32: {  	_ =	swait.ge [sflag:s20], $0x20  }
0x33: {  	[sflag:s20] =	ssyncset.done $0x0  }
0x34: {  	[sflag:s20] =	ssyncadd.s32 $0xFFFFFFE0  }
0x35: {  	[spmem:s2] =	stream.indirect.scatter [tilespmem:s19], [sflag:$0x4], $0x80, s22, s23, $0xb8;
	[tilespmem:$0x18280] =	vst v63  }
0x36: {  	_ =	swait.ge [sflag:s20], $0x1000  }
0x37: {  	[sflag:s20] =	ssyncset.done $0x0  }
0x38: {  	[sflag:s20] =	ssyncadd.s32 $0xFFFFF000  }
0x39: {  	s14 =	simm.s32 $0x0;
	s11 =	simm.s32 $0x0;
	[bflag:$0x0] =	sbarrier.arrive $0xFFFF  }
.LBB2_4:
0x3a: {  	s16 =	sshll.u32 s11, $0x5  }
0x3b: {  	s16 =	sadd.s32 s13, s16  }
0x3c: {  	s16 =	sshrl.u32 s16, $0x3  }
0x3d: {  	s18 =	sadd.s32 s8, s16  }
0x3e: {  	[tilespmem:s24], [sflag:$0x4] =	stream.linear.gather [hbm4b:s18+s14], $0x20, $0x38;
	[tilespmem:$0x18280] =	vst v63  }
0x3f: {  	_ =	swait.ge [sflag:s20], $0x20  }
0x40: {  	[sflag:s20] =	ssyncset.done $0x0  }
0x41: {  	s12 =	sadd.s32 s9, s16;
	[sflag:s20] =	ssyncadd.s32 $0xFFFFFFE0  }
0x42: {  	[tilespmem:s25], [sflag:$0x4] =	stream.linear.gather [hbm4b:s12+s14], $0x20, $0x38;
	[tilespmem:$0x18280] =	vst v63  }
0x43: {  	_ =	swait.ge [sflag:s20], $0x20  }
0x44: {  	[sflag:s20] =	ssyncset.done $0x0  }
0x45: {  	s12 =	sadd.s32 s1, s16;
	[sflag:s20] =	ssyncadd.s32 $0xFFFFFFE0  }
0x46: {  	[tilespmem:s26], [sflag:$0x4] =	stream.linear.gather [hbm4b:s12+s14], $0x20, $0x38;
	[tilespmem:$0x18280] =	vst v63  }
0x47: {  	_ =	swait.ge [sflag:s20], $0x20  }
0x48: {  	[sflag:s20] =	ssyncset.done $0x0  }
0x49: {  	s16 =	sadd.s32 s10, s16;
	[sflag:s20] =	ssyncadd.s32 $0xFFFFFFE0  }
0x4a: {  	[tilespmem:s28], [sflag:$0x4] =	stream.linear.gather [hbm4b:s16+s14], $0x20, $0x38;
	[tilespmem:$0x18280] =	vst v63  }
0x4b: {  	_ =	swait.ge [sflag:s20], $0x20  }
0x4c: {  	[sflag:s20] =	ssyncset.done $0x0  }
0x4d: {  	[sflag:s20] =	ssyncadd.s32 $0xFFFFFFE0  }
0x4e: {  	[tilespmem:s19], [sflag:$0x1] =	stream.indirect.gather [hbm4b:s5+s23], $0x80, s24, s23, $0xb8;
	[tilespmem:$0x18280] =	vst v63  }
0x4f: {  	_ = 	snop  }
0x50: {  	[tilespmem:s29], [sflag:$0x2] =	stream.indirect.gather [hbm4b:s6+s23], $0x80, s25, s23, $0xb8;
	[tilespmem:$0x18280] =	vst v63  }
0x51: {  	_ = 	snop  }
0x52: {  	[tilespmem:s30], [sflag:$0x3] =	stream.indirect.gather [hbm4b:s7+s23], $0x80, s26, s23, $0xb8;
	[tilespmem:$0x18280] =	vst v63  }
0x53: {  	_ =	swait.ge [sflag:s31], $0x1000  }
0x54: {  	[sflag:s31] =	ssyncset.done $0x0  }
0x55: {  	[sflag:s31] =	ssyncadd.s32 $0xFFFFF000  }
0x56: {  	_ =	swait.ge [sflag:s0], $0x1000  }
0x57: {  	[sflag:s0] =	ssyncset.done $0x0  }
0x58: {  	[sflag:s0] =	ssyncadd.s32 $0xFFFFF000  }
0x59: {  	_ =	swait.ge [sflag:s4], $0x1000  }
0x5a: {  	[sflag:s4] =	ssyncset.done $0x0  }
0x5b: {  	s16 =	simm.s32 $0x0;
	[sflag:s4] =	ssyncadd.s32 $0xFFFFF000  }
0x5c: {  	v5 =	vld [tilespmem:s16+$0x16000]  }
0x5d: {  	v4 =	vld [tilespmem:s16+$0x16010]  }
0x5e: {  	v3 =	vld [tilespmem:s16+$0x16020]  }
0x5f: {  	v2 =	vld [tilespmem:s16+$0x16030]  }
0x60: {  	v1 =	vld [tilespmem:s16+$0x16040]  }
0x61: {  	v0 =	vld [tilespmem:s16+$0x16050]  }
0x62: {  	v12 =	vld [tilespmem:s16+$0x15000]  }
0x63: {  	v17 =	vld [tilespmem:s16+$0x15010]  }
0x64: {  	v11 =	vld [tilespmem:s16+$0x15020]  }
0x65: {  	v10 =	vld [tilespmem:s16+$0x15030]  }
0x66: {  	v9 =	vld [tilespmem:s16+$0x15040]  }
0x67: {  	v8 =	vld [tilespmem:s16+$0x15050]  }
0x68: {  	v7 =	vld [tilespmem:s16+$0x15060]  }
0x69: {  	v6 =	vld [tilespmem:s16+$0x15070]  }
0x6a: {  	v18 =	vld [tilespmem:s16+$0x14000]  }
0x6b: {  	v19 =	vld [tilespmem:s16+$0x14010]  }
0x6c: {  	v16 =	vld [tilespmem:s16+$0x14020]  }
0x6d: {  	v15 =	vld [tilespmem:s16+$0x14030]  }
0x6e: {  	v14 =	vld [tilespmem:s16+$0x14040]  }
0x6f: {  	v13 =	vld [tilespmem:s16+$0x14050];
	v18 =	vadd.f32 v12, v18  }
0x70: {  	s18 =	simm.s32 $0x200;
	v17 =	vadd.f32 v17, v19;
	v12 =	vld [tilespmem:s16+$0x14060]  }
.LBB2_5:
0x71: {  	p0 =	sne.s32 s18, $0x3E00;
	v5 =	vadd.f32 v5, v18;
	v11 =	vadd.f32 v11, v16;
	v16 =	vld [tilespmem:s16+$0x14070]  }
0x72: {  	v4 =	vadd.f32 v4, v17;
	v10 =	vadd.f32 v10, v15;
	v15 =	vld [tilespmem:s16+$0x16060]  }
0x73: {  	s12 =	sshra.s32 s18, $0x2;
	[tilespmem:s16+$0x14000] =	vst v5;
	v3 =	vadd.f32 v3, v11;
	v9 =	vadd.f32 v9, v14;
	v11 =	vld [tilespmem:s16+$0x16070]  }
0x74: {  	v5 =	vld [tilespmem:s12+$0x16000];
	[tilespmem:s16+$0x14010] =	vst v4;
	v2 =	vadd.f32 v2, v10;
	v8 =	vadd.f32 v8, v13  }
0x75: {  	v4 =	vld [tilespmem:s12+$0x16010];
	[tilespmem:s16+$0x14020] =	vst v3;
	v1 =	vadd.f32 v1, v9;
	v7 =	vadd.f32 v7, v12  }
0x76: {  	v3 =	vld [tilespmem:s12+$0x16020];
	[tilespmem:s16+$0x14030] =	vst v2;
	v0 =	vadd.f32 v0, v8;
	v6 =	vadd.f32 v6, v16  }
0x77: {  	v2 =	vld [tilespmem:s12+$0x16030];
	[tilespmem:s16+$0x14040] =	vst v1;
	v7 =	vadd.f32 v15, v7  }
0x78: {  	v1 =	vld [tilespmem:s12+$0x16040];
	[tilespmem:s16+$0x14050] =	vst v0;
	v6 =	vadd.f32 v11, v6  }
0x79: {  	v0 =	vld [tilespmem:s12+$0x16050];
	[tilespmem:s16+$0x14060] =	vst v7  }
0x7a: {  	v12 =	vld [tilespmem:s12+$0x15000];
	[tilespmem:s16+$0x14070] =	vst v6;
	s16 =	smov.u32 s12  }
0x7b: {  	v17 =	vld [tilespmem:s16+$0x15010]  }
0x7c: {  	v11 =	vld [tilespmem:s16+$0x15020]  }
0x7d: {  	v10 =	vld [tilespmem:s16+$0x15030]  }
0x7e: {  	v9 =	vld [tilespmem:s16+$0x15040]  }
0x7f: {  	v8 =	vld [tilespmem:s16+$0x15050]  }
0x80: {  	v7 =	vld [tilespmem:s16+$0x15060]  }
0x81: {  	v6 =	vld [tilespmem:s16+$0x15070]  }
0x82: {  	v13 =	vld [tilespmem:s16+$0x14000]  }
0x83: {  	v19 =	vld [tilespmem:s16+$0x14010]  }
.Ltmp1:
0x84: {  	v16 =	vld [tilespmem:s16+$0x14020];
	(pc) =	sbr.rel @p0 .LBB2_5-.Ltmp1, $4  }
0x85: {  	v15 =	vld [tilespmem:s16+$0x14030]  }
0x86: {  	v14 =	vld [tilespmem:s16+$0x14040]  }
0x87: {  	v18 =	vadd.f32 v12, v13;
	v13 =	vld [tilespmem:s16+$0x14050]  }
0x88: {  	s18 =	sadd.s32 $0x200, s18;
	v17 =	vadd.f32 v17, v19;
	v12 =	vld [tilespmem:s16+$0x14060]  }
0x89: {  	v5 =	vadd.f32 v5, v18;
	v55 =	vld [tilespmem:s16+$0x14070];
	v11 =	vadd.f32 v11, v16  }
0x8a: {  	v56 =	vld [tilespmem:s16+$0x16060];
	v4 =	vadd.f32 v4, v17;
	v10 =	vadd.f32 v10, v15  }
0x8b: {  	v58 =	vld [tilespmem:s16+$0x16070];
	[tilespmem:s16+$0x14000] =	vst v5;
	v3 =	vadd.f32 v3, v11;
	v57 =	vadd.f32 v9, v14  }
0x8c: {  	[tilespmem:s16+$0x14010] =	vst v4;
	v2 =	vadd.f32 v2, v10;
	v59 =	vadd.f32 v8, v13  }
0x8d: {  	[tilespmem:s16+$0x14020] =	vst v3;
	v1 =	vadd.f32 v1, v57;
	v60 =	vadd.f32 v7, v12  }
0x8e: {  	[tilespmem:s16+$0x14030] =	vst v2;
	v0 =	vadd.f32 v0, v59;
	v61 =	vadd.f32 v6, v55  }
0x8f: {  	[tilespmem:s16+$0x14040] =	vst v1;
	v62 =	vadd.f32 v56, v60  }
0x90: {  	s11 =	sadd.s32 $0x1, s11;
	[tilespmem:s16+$0x14050] =	vst v0;
	v63 =	vadd.f32 v58, v61  }
0x91: {  	p0 =	sne.s32 s11, $0x139;
	[tilespmem:s16+$0x14060] =	vst v62  }
.Ltmp2:
0x92: {  	[tilespmem:s16+$0x14070] =	vst v63;
	(pc) =	sbr.rel @p0 .LBB2_4-.Ltmp2, $4  }
0x93: {  	[spmem:s2] =	stream.indirect.scatter.add.f32 [tilespmem:s19], [sflag:$0x4], $0x80, s28, s23, $0xb8;
	[tilespmem:$0x18280] =	vst v63  }
0x94: {  	_ =	swait.ge [sflag:s20], $0x1000  }
0x95: {  	[sflag:s20] =	ssyncset.done $0x0  }
0x96: {  	[sflag:s20] =	ssyncadd.s32 $0xFFFFF000  }
0x97: {  	[bflag:$0x0] =	sbarrier.arrive $0xFFFF;
	s11 =	sadd.s32 $0x0, s15  }
0x98: {  	[tilespmem:s22], [sflag:$0x4] =	stream.linear.gather [hbm4b:s11+s3], $0x20, $0x38;
	[tilespmem:$0x18280] =	vst v63  }
0x99: {  	_ =	swait.ge [sflag:s20], $0x20  }
0x9a: {  	[sflag:s20] =	ssyncset.done $0x0  }
0x9b: {  	[sflag:s20] =	ssyncadd.s32 $0xFFFFFFE0  }
0x9c: {  	[tilespmem:s19], [sflag:$0x4] =	stream.indirect.gather [spmem:s2], $0x80, s22, s23, $0xb8;
	[tilespmem:$0x18280] =	vst v63  }
0x9d: {  	_ =	swait.ge [sflag:s20], $0x1000  }
0x9e: {  	[sflag:s20] =	ssyncset.done $0x0  }
0x9f: {  	s18 =	rddreg [dreg:$0x7];
	[sflag:s20] =	ssyncadd.s32 $0xFFFFF000  }
0xa0: {  	[hbm4b:s18+s3] =	stream.linear.scatter [tilespmem:s19], [sflag:$0x4], $0x1000, $0x38;
	[tilespmem:$0x18280] =	vst v63  }
0xa1: {  	s14 =	simm.s32 $0x4;
	_ =	swait.ge [sflag:s20], $0x1000  }
0xa2: {  	s16 =	simm.s32 $0x8;
	s11 =	sadd.s32 $0x200, s18;
	[sflag:s20] =	ssyncset.done $0x0  }
.LBB2_8:
0xa3: {  	s12 =	sadd.s32 s14, s15  }
0xa4: {  	[sflag:s20] =	ssyncadd.s32 $0xFFFFF000;
	s14 =	smov.u32 s16;
	s18 =	sadd.s32 $0x4, s16  }
0xa5: {  	[tilespmem:s22], [sflag:$0x4] =	stream.linear.gather [hbm4b:s12+s3], $0x20, $0x38;
	[tilespmem:$0x18280] =	vst v63  }
0xa6: {  	p0 =	sne.s32 s16, $0x4C;
	_ =	swait.ge [sflag:s20], $0x20  }
0xa7: {  	[sflag:s20] =	ssyncset.done $0x0  }
0xa8: {  	[sflag:s20] =	ssyncadd.s32 $0xFFFFFFE0  }
0xa9: {  	[tilespmem:s19], [sflag:$0x4] =	stream.indirect.gather [spmem:s2], $0x80, s22, s23, $0xb8;
	[tilespmem:$0x18280] =	vst v63  }
0xaa: {  	_ =	swait.ge [sflag:s20], $0x1000  }
.Ltmp3:
0xab: {  	[sflag:s20] =	ssyncset.done $0x0;
	(pc) =	sbr.rel @p0 .LBB2_8-.Ltmp3, $4  }
0xac: {  	[sflag:s20] =	ssyncadd.s32 $0xFFFFF000  }
0xad: {  	[hbm4b:s11+s3] =	stream.linear.scatter [tilespmem:s19], [sflag:$0x4], $0x1000, $0x38;
	[tilespmem:$0x18280] =	vst v63  }
0xae: {  	_ =	swait.ge [sflag:s20], $0x1000  }
0xaf: {  	s16 =	smov.u32 s18;
	s11 =	sadd.s32 $0x200, s11;
	[sflag:s20] =	ssyncset.done $0x0  }
0xb0: {  	s12 =	sadd.s32 s14, s15;
	[sflag:s20] =	ssyncadd.s32 $0xFFFFF000  }
0xb1: {  	[tilespmem:s22], [sflag:$0x4] =	stream.linear.gather [hbm4b:s12+s3], $0x20, $0x38;
	[tilespmem:$0x18280] =	vst v63  }
0xb2: {  	_ =	swait.ge [sflag:s20], $0x20  }
0xb3: {  	[sflag:s20] =	ssyncset.done $0x0  }
0xb4: {  	[sflag:s20] =	ssyncadd.s32 $0xFFFFFFE0  }
0xb5: {  	[tilespmem:s19], [sflag:$0x4] =	stream.indirect.gather [spmem:s2], $0x80, s22, s23, $0xb8;
	[tilespmem:$0x18280] =	vst v63  }
0xb6: {  	_ =	swait.ge [sflag:s20], $0x1000  }
0xb7: {  	[sflag:s20] =	ssyncset.done $0x0  }
0xb8: {  	[sflag:s20] =	ssyncadd.s32 $0xFFFFF000  }
0xb9: {  	[hbm4b:s11+s3] =	stream.linear.scatter [tilespmem:s19], [sflag:$0x4], $0x1000, $0x38;
	[tilespmem:$0x18280] =	vst v63  }
0xba: {  	_ =	swait.ge [sflag:s20], $0x1000  }
0xbb: {  	[sflag:s20] =	ssyncset.done $0x0  }
0xbc: {  	[sflag:s20] =	ssyncadd.s32 $0xFFFFF000  }
0xbd: {  	[bflag:$0x0] =	sbarrier.arrive $0xFFFF  }
0xbe: {  	s14 =	simm.s32 $0x0;
	s16 =	rddreg [dreg:$0x4]  }
0xbf: {  	[tilespmem:s29], [sflag:$0x4] =	stream.linear.gather [hbm4b:s16+s14], $0x1000, $0x38;
	[tilespmem:$0x18280] =	vst v63  }
0xc0: {  	_ =	swait.ge [sflag:s20], $0x1000  }
0xc1: {  	[sflag:s20] =	ssyncset.done $0x0  }
0xc2: {  	s18 =	sadd.s32 $0x0, s15;
	[sflag:s20] =	ssyncadd.s32 $0xFFFFF000  }
0xc3: {  	[tilespmem:s22], [sflag:$0x4] =	stream.linear.gather [hbm4b:s18+s3], $0x20, $0x38;
	[tilespmem:$0x18280] =	vst v63  }
0xc4: {  	_ =	swait.ge [sflag:s20], $0x20  }
0xc5: {  	[sflag:s20] =	ssyncset.done $0x0  }
0xc6: {  	[sflag:s20] =	ssyncadd.s32 $0xFFFFFFE0  }
0xc7: {  	[spmem:s2] =	stream.indirect.scatter [tilespmem:s29], [sflag:$0x4], $0x80, s22, s23, $0xb8;
	[tilespmem:$0x18280] =	vst v63  }
0xc8: {  	_ =	swait.ge [sflag:s20], $0x1000  }
0xc9: {  	s11 =	simm.s32 $0x4;
	s14 =	simm.s32 $0x8;
	[sflag:s20] =	ssyncset.done $0x0  }
.LBB2_10:
0xca: {  	s12 =	sadd.s32 s11, s15  }
0xcb: {  	[sflag:s20] =	ssyncadd.s32 $0xFFFFF000;
	s11 =	smov.u32 s14;
	s16 =	sadd.s32 $0x4, s14  }
0xcc: {  	[tilespmem:s22], [sflag:$0x4] =	stream.linear.gather [hbm4b:s12+s3], $0x20, $0x38;
	[tilespmem:$0x18280] =	vst v63  }
0xcd: {  	p0 =	sne.s32 s14, $0x4C;
	_ =	swait.ge [sflag:s20], $0x20  }
.Ltmp4:
0xce: {  	[sflag:s20] =	ssyncset.done $0x0;
	(pc) =	sbr.rel @p0 .LBB2_10-.Ltmp4, $4  }
0xcf: {  	[sflag:s20] =	ssyncadd.s32 $0xFFFFFFE0  }
0xd0: {  	[spmem:s2] =	stream.indirect.scatter [tilespmem:s29], [sflag:$0x4], $0x80, s22, s23, $0xb8;
	[tilespmem:$0x18280] =	vst v63  }
0xd1: {  	_ =	swait.ge [sflag:s20], $0x1000  }
0xd2: {  	s14 =	smov.u32 s16;
	[sflag:s20] =	ssyncset.done $0x0  }
0xd3: {  	s11 =	sadd.s32 s11, s15;
	[sflag:s20] =	ssyncadd.s32 $0xFFFFF000  }
0xd4: {  	[tilespmem:s22], [sflag:$0x4] =	stream.linear.gather [hbm4b:s11+s3], $0x20, $0x38;
	[tilespmem:$0x18280] =	vst v63  }
0xd5: {  	_ =	swait.ge [sflag:s20], $0x20  }
0xd6: {  	[sflag:s20] =	ssyncset.done $0x0  }
0xd7: {  	[sflag:s20] =	ssyncadd.s32 $0xFFFFFFE0  }
0xd8: {  	[spmem:s2] =	stream.indirect.scatter [tilespmem:s29], [sflag:$0x4], $0x80, s22, s23, $0xb8;
	[tilespmem:$0x18280] =	vst v63  }
0xd9: {  	_ =	swait.ge [sflag:s20], $0x1000  }
0xda: {  	[sflag:s20] =	ssyncset.done $0x0  }
0xdb: {  	[sflag:s20] =	ssyncadd.s32 $0xFFFFF000  }
0xdc: {  	s18 =	sadd.s32 $0x0, s17;
	[bflag:$0x0] =	sbarrier.arrive $0xFFFF  }
0xdd: {  	[tilespmem:s28], [sflag:$0x4] =	stream.linear.gather [hbm4b:s18+s3], $0x20, $0x38;
	[tilespmem:$0x18280] =	vst v63  }
0xde: {  	_ =	swait.ge [sflag:s20], $0x20  }
0xdf: {  	[sflag:s20] =	ssyncset.done $0x0  }
0xe0: {  	[sflag:s20] =	ssyncadd.s32 $0xFFFFFFE0  }
0xe1: {  	[spmem:s2] =	stream.indirect.scatter.add.f32 [tilespmem:s21], [sflag:$0x4], $0x80, s28, s23, $0xb8;
	[tilespmem:$0x18280] =	vst v63  }
0xe2: {  	_ =	swait.ge [sflag:s20], $0x1000  }
0xe3: {  	s14 =	simm.s32 $0x8;
	s11 =	simm.s32 $0x4;
	[sflag:s20] =	ssyncset.done $0x0  }
.LBB2_12:
0xe4: {  	s12 =	sadd.s32 s11, s17  }
0xe5: {  	[sflag:s20] =	ssyncadd.s32 $0xFFFFF000;
	s11 =	smov.u32 s14;
	s16 =	sadd.s32 $0x4, s14  }
0xe6: {  	[tilespmem:s28], [sflag:$0x4] =	stream.linear.gather [hbm4b:s12+s3], $0x20, $0x38;
	[tilespmem:$0x18280] =	vst v63  }
0xe7: {  	p0 =	sne.s32 s14, $0x4E0;
	_ =	swait.ge [sflag:s20], $0x20  }
.Ltmp5:
0xe8: {  	[sflag:s20] =	ssyncset.done $0x0;
	(pc) =	sbr.rel @p0 .LBB2_12-.Ltmp5, $4  }
0xe9: {  	[sflag:s20] =	ssyncadd.s32 $0xFFFFFFE0  }
0xea: {  	[spmem:s2] =	stream.indirect.scatter.add.f32 [tilespmem:s21], [sflag:$0x4], $0x80, s28, s23, $0xb8;
	[tilespmem:$0x18280] =	vst v63  }
0xeb: {  	_ =	swait.ge [sflag:s20], $0x1000  }
0xec: {  	s14 =	smov.u32 s16;
	[sflag:s20] =	ssyncset.done $0x0  }
0xed: {  	s11 =	sadd.s32 s11, s17;
	[sflag:s20] =	ssyncadd.s32 $0xFFFFF000  }
0xee: {  	[tilespmem:s28], [sflag:$0x4] =	stream.linear.gather [hbm4b:s11+s3], $0x20, $0x38;
	[tilespmem:$0x18280] =	vst v63  }
0xef: {  	_ =	swait.ge [sflag:s20], $0x20  }
0xf0: {  	[sflag:s20] =	ssyncset.done $0x0  }
0xf1: {  	[sflag:s20] =	ssyncadd.s32 $0xFFFFFFE0  }
0xf2: {  	[spmem:s2] =	stream.indirect.scatter.add.f32 [tilespmem:s21], [sflag:$0x4], $0x80, s28, s23, $0xb8;
	[tilespmem:$0x18280] =	vst v63  }
0xf3: {  	_ =	swait.ge [sflag:s20], $0x1000  }
0xf4: {  	[sflag:s20] =	ssyncset.done $0x0  }
0xf5: {  	[sflag:s20] =	ssyncadd.s32 $0xFFFFF000  }
0xf6: {  	s16 =	sadd.s32 $0x0, s15;
	[bflag:$0x0] =	sbarrier.arrive $0xFFFF  }
0xf7: {  	[tilespmem:s22], [sflag:$0x4] =	stream.linear.gather [hbm4b:s16+s3], $0x20, $0x38;
	[tilespmem:$0x18280] =	vst v63  }
0xf8: {  	_ =	swait.ge [sflag:s20], $0x20  }
0xf9: {  	[sflag:s20] =	ssyncset.done $0x0  }
0xfa: {  	[sflag:s20] =	ssyncadd.s32 $0xFFFFFFE0  }
0xfb: {  	[tilespmem:s19], [sflag:$0x4] =	stream.indirect.gather [spmem:s2], $0x80, s22, s23, $0xb8;
	[tilespmem:$0x18280] =	vst v63  }
0xfc: {  	_ =	swait.ge [sflag:s20], $0x1000  }
0xfd: {  	[sflag:s20] =	ssyncset.done $0x0  }
0xfe: {  	s18 =	rddreg [dreg:$0x8];
	[sflag:s20] =	ssyncadd.s32 $0xFFFFF000  }
0xff: {  	[hbm4b:s18+s3] =	stream.linear.scatter [tilespmem:s19], [sflag:$0x4], $0x1000, $0x38;
	[tilespmem:$0x18280] =	vst v63  }
0x100: {  	s14 =	simm.s32 $0x4;
	_ =	swait.ge [sflag:s20], $0x1000  }
0x101: {  	s16 =	simm.s32 $0x8;
	s11 =	sadd.s32 $0x200, s18;
	[sflag:s20] =	ssyncset.done $0x0  }
.LBB2_14:
0x102: {  	s12 =	sadd.s32 s14, s15  }
0x103: {  	[sflag:s20] =	ssyncadd.s32 $0xFFFFF000;
	s14 =	smov.u32 s16;
	s18 =	sadd.s32 $0x4, s16  }
0x104: {  	[tilespmem:s22], [sflag:$0x4] =	stream.linear.gather [hbm4b:s12+s3], $0x20, $0x38;
	[tilespmem:$0x18280] =	vst v63  }
0x105: {  	p0 =	sne.s32 s16, $0x4C;
	_ =	swait.ge [sflag:s20], $0x20  }
0x106: {  	[sflag:s20] =	ssyncset.done $0x0  }
0x107: {  	[sflag:s20] =	ssyncadd.s32 $0xFFFFFFE0  }
0x108: {  	[tilespmem:s19], [sflag:$0x4] =	stream.indirect.gather [spmem:s2], $0x80, s22, s23, $0xb8;
	[tilespmem:$0x18280] =	vst v63  }
0x109: {  	_ =	swait.ge [sflag:s20], $0x1000  }
.Ltmp6:
0x10a: {  	[sflag:s20] =	ssyncset.done $0x0;
	(pc) =	sbr.rel @p0 .LBB2_14-.Ltmp6, $4  }
0x10b: {  	[sflag:s20] =	ssyncadd.s32 $0xFFFFF000  }
0x10c: {  	[hbm4b:s11+s3] =	stream.linear.scatter [tilespmem:s19], [sflag:$0x4], $0x1000, $0x38;
	[tilespmem:$0x18280] =	vst v63  }
0x10d: {  	_ =	swait.ge [sflag:s20], $0x1000  }
0x10e: {  	s16 =	smov.u32 s18;
	s11 =	sadd.s32 $0x200, s11;
	[sflag:s20] =	ssyncset.done $0x0  }
0x10f: {  	s12 =	sadd.s32 s14, s15;
	[sflag:s20] =	ssyncadd.s32 $0xFFFFF000  }
0x110: {  	[tilespmem:s22], [sflag:$0x4] =	stream.linear.gather [hbm4b:s12+s3], $0x20, $0x38;
	[tilespmem:$0x18280] =	vst v63  }
0x111: {  	_ =	swait.ge [sflag:s20], $0x20  }
0x112: {  	[sflag:s20] =	ssyncset.done $0x0  }
0x113: {  	[sflag:s20] =	ssyncadd.s32 $0xFFFFFFE0  }
0x114: {  	[tilespmem:s19], [sflag:$0x4] =	stream.indirect.gather [spmem:s2], $0x80, s22, s23, $0xb8;
	[tilespmem:$0x18280] =	vst v63  }
0x115: {  	_ =	swait.ge [sflag:s20], $0x1000  }
0x116: {  	[sflag:s20] =	ssyncset.done $0x0  }
0x117: {  	[sflag:s20] =	ssyncadd.s32 $0xFFFFF000  }
0x118: {  	[hbm4b:s11+s3] =	stream.linear.scatter [tilespmem:s19], [sflag:$0x4], $0x1000, $0x38;
	[tilespmem:$0x18280] =	vst v63  }
0x119: {  	_ =	swait.ge [sflag:s20], $0x1000  }
0x11a: {  	s16 =	rddreg [dreg:$0x9]  }
0x11b: {  	s18 =	rddreg [dreg:$0x6];
	s12 =	sadd.s32 $0x1, s16  }
0x11c: {  	p0 =	sne.s32 s12, s18  }
.Ltmp7:
0x11d: {  	_ = 	snop;
	(pc) =	sbr.rel @p0 .LBB2_1-.Ltmp7, $3  }
0x11e: {  	_ =	sdelay $0x1  }
0x11f: {  	[sflag:s20] =	ssyncset.done $0x0  }
0x120: {  	[sflag:s20] =	ssyncadd.s32 $0xFFFFF000  }
0x121: {  	_ =	sfence.sel $0x180000  }
0x122: {  	[bflag:$0x0] =	sbarrier.arrive $0xFFFF  }
0x123: {  	_ =	strace $0x90000047  }
0x124: {  	s0 =	stileid.u32;
	[bflag:$0x2] =	sbarrier.arrive $0xFFFF  }
0x125: {  	p0 =	sne.s32 s0, $0x0;
	s0 =	rddreg [dreg:$0x3]  }
0x126: {  	s0 =	sadd.s32 @!p0 $0x100000, s0  }
0x127: {  	[sflag:s0] =	ssyncadd.tile.s32 @!p0 $0x1;
	_ =	shalt  }
.Lfunc_end2:
_tile_overlayer_lowered:
.L_overlay_start_2:
0x128: {  	(tag) =	ssettag $0x2  }
0x129: {  	s0 =	rddreg [dreg:$0x0];
	s2 =	stileid.u32  }
0x12a: {  	s1 =	rddreg [dreg:$0x1];
	p0 =	sne.s32 s2, $0x0  }
0x12b: {  	s3 =	rddreg [dreg:$0x2];
	[bflag:$0x3] =	sbarrier.arrive $0xFFFF;
	s2 =	simm.s32 @!p0 $0x1C04  }
0x12c: {  	[timem:s3], [sflag:s2] =	dma.local @!p0 [hbm:s0], s1  }
0x12d: {  	s0 =	simm.s32 @!p0 $0x4  }
0x12e: {  	_ =	swait.ge @!p0 [sflag:s0], s1  }
0x12f: {  	s1 =	ssub.s32 @!p0 $0x0, s1;
	[sflag:s0] =	ssyncset.done @!p0 $0x0  }
0x130: {  	[sflag:s0] =	ssyncadd.s32 @!p0 s1  }
0x131: {  	[bflag:$0x3] =	sbarrier.arrive $0xFFFF  }
0x132: {  	_ =	shalt  }

</sc_bundles>
